<compile_context>
chip_gen: v7x
topology: tpu7x:2x2x1
jax: 0.10.2.dev20260603
libtpu: 0.0.44.dev20260713+nightly
codegen_flags: <defaults>
</compile_context>

<pallas_src>
import functools

import jax
import jax.numpy as jnp
from jax import lax
from jax.experimental import pallas as pl
from jax.experimental.pallas import tpu as pltpu
from jax.experimental.pallas import tpu_sc as plsc

D_VOCAB = 50257
D_MODEL = 1024
NC = 2
NS = 16
NW = NC * NS

PER_W = 512
SIZES = [40] * 12 + [32]
OFFS = [40 * i for i in range(13)]
NCH = len(SIZES)
NBUF = 3


def _make_embed_kernel(batch, seq):
    n_tokens = batch * seq
    assert n_tokens == NW * PER_W
    w_per_row = seq // PER_W

    mesh = plsc.VectorSubcoreMesh(core_axis_name="c", subcore_axis_name="s")

    @functools.partial(
        pl.kernel,
        out_type=jax.ShapeDtypeStruct((n_tokens, D_MODEL), jnp.float32),
        mesh=mesh,
        scratch_types=[
            pltpu.VMEM((PER_W,), jnp.int32),
            pltpu.VMEM((SIZES[0], D_MODEL), jnp.float32),
            pltpu.VMEM((SIZES[0], D_MODEL), jnp.float32),
            pltpu.VMEM((SIZES[0], D_MODEL), jnp.float32),
            pltpu.SemaphoreType.DMA,
            pltpu.SemaphoreType.DMA,
            pltpu.SemaphoreType.DMA,
            pltpu.SemaphoreType.DMA,
            pltpu.SemaphoreType.DMA,
            pltpu.SemaphoreType.DMA,
        ],
    )
    def embed(tokens_hbm, table_hbm, out_hbm, idx_v, rows_a, rows_b, rows_c,
              gsem0, gsem1, gsem2, wsem0, wsem1, wsem2):
        rows = (rows_a, rows_b, rows_c)
        gsem = (gsem0, gsem1, gsem2)
        wsem = (wsem0, wsem1, wsem2)
        wid = lax.axis_index("s") * NC + lax.axis_index("c")
        b = wid // w_per_row
        off = (wid % w_per_row) * PER_W
        pltpu.sync_copy(tokens_hbm.at[b, pl.ds(off, PER_W)], idx_v)
        base = wid * PER_W

        def gather(c):
            return pltpu.async_copy(
                table_hbm.at[idx_v.at[pl.ds(OFFS[c], SIZES[c])]],
                rows[c % NBUF].at[pl.ds(0, SIZES[c])], gsem[c % NBUF])

        def write(c):
            return pltpu.async_copy(
                rows[c % NBUF].at[pl.ds(0, SIZES[c])],
                out_hbm.at[pl.ds(base + OFFS[c], SIZES[c])], wsem[c % NBUF])

        gd = [None] * NCH
        wd = [None] * NCH
        gd[0] = gather(0)
        gd[1] = gather(1)
        for c in range(NCH):
            gd[c].wait()
            wd[c] = write(c)
            if c >= 1:
                wd[c - 1].wait()
            if c + 2 < NCH:
                gd[c + 2] = gather(c + 2)
        wd[NCH - 1].wait()

    return embed


@jax.jit
def kernel(tokens, W_E):
    batch, seq = tokens.shape
    out = _make_embed_kernel(batch, seq)(tokens.astype(jnp.int32), W_E)
    return out.reshape(batch, seq, D_MODEL)

# --- scband reference (transcript-rebuilt; emitter-appended) ---
"""Pipeline reference for scband-embed-22625887716018 (READ-ONLY COPY).

The authoritative reference and input builder live on the scoring server;
editing this copy changes nothing except your own understanding.
"""

import jax, jax.numpy as jnp
import numpy as np

D_VOCAB = 50257
D_MODEL = 1024
BATCH = 4
SEQ = 4096


def setup_inputs(seed: int = 0) -> dict:
    key = jax.random.key(seed)
    k1, k2 = jax.random.split(key)
    tokens = jax.random.randint(k1, (BATCH, SEQ), 0, D_VOCAB, dtype=jnp.int64 if jax.config.jax_enable_x64 else jnp.int32)
    W_E = jax.random.normal(k2, (D_VOCAB, D_MODEL), dtype=jnp.float32) * 0.02
    return {"tokens": tokens, "W_E": W_E}


def reference(tokens, W_E):
    # Faithful translation of Embed.forward with post_embedding_ln=False:
    # return self.W_E[tokens, :]
    return jnp.take(W_E, tokens, axis=0)


if False:  # reference __main__ guard neutralized (emitter)
    inp = setup_inputs()
    out = reference(**inp)
    print(out.shape, out.dtype)

if __name__ == "__main__":
    import jax
    _d = setup_inputs()
    print(jax.jit(kernel)(*tuple(_d.values())))

</pallas_src>

<mosaic_0001>
#map = affine_map<(d0, d1) -> (0, 0)>
module attributes {stable_mosaic.version = 14 : i64} {
  func.func @embed(%arg0: i32, %arg1: i32, %arg2: memref<4x4096xi32, #tpu.memory_space<hbm>>, %arg3: memref<50257x1024xf32, #tpu.memory_space<hbm>>, %arg4: memref<16384x1024xf32, #tpu.memory_space<hbm>>, %arg5: memref<512xi32, #tpu.memory_space<vmem>>, %arg6: memref<40x1024xf32, #tpu.memory_space<vmem>>, %arg7: memref<40x1024xf32, #tpu.memory_space<vmem>>, %arg8: memref<40x1024xf32, #tpu.memory_space<vmem>>, %arg9: memref<!tpu.dma_semaphore, #tpu.memory_space<semaphore_mem>>, %arg10: memref<!tpu.dma_semaphore, #tpu.memory_space<semaphore_mem>>, %arg11: memref<!tpu.dma_semaphore, #tpu.memory_space<semaphore_mem>>, %arg12: memref<!tpu.dma_semaphore, #tpu.memory_space<semaphore_mem>>, %arg13: memref<!tpu.dma_semaphore, #tpu.memory_space<semaphore_mem>>, %arg14: memref<!tpu.dma_semaphore, #tpu.memory_space<semaphore_mem>>) attributes {dimension_semantics = [#tpu.dimension_semantics<core_parallel>, #tpu.dimension_semantics<subcore_parallel>], iteration_bounds = array<i64: 2, 16>, scalar_prefetch = 0 : i64, scratch_operands = 10 : i64, tpu.core_type = #tpu.core_type<sc_vector_subcore>, window_params = [{transform_indices = #map}, {transform_indices = #map}, {transform_indices = #map}]} {
    %mul3A = arith.constant 2 : i32
    %mul3A_0 = arith.muli %arg1, %mul3A : i32
    %add3A = arith.addi %mul3A_0, %arg0 : i32
    %jit3A = arith.constant 8 : i32
    %div3A = arith.divsi %add3A, %jit3A : i32
    %sign3A = arith.constant 0 : i32
    %sign3A_1 = arith.cmpi sgt, %add3A, %sign3A : i32
    %sign3A_2 = arith.extui %sign3A_1 : i1 to i32
    %sign3A_3 = arith.constant 0 : i32
    %sign3A_4 = arith.cmpi slt, %add3A, %sign3A_3 : i32
    %sign3A_5 = arith.extui %sign3A_4 : i1 to i32
    %sign3A_6 = arith.subi %sign3A_2, %sign3A_5 : i32
    %sign3A_7 = arith.constant 0 : i32
    %sign3A_8 = arith.cmpi sgt, %jit3A, %sign3A_7 : i32
    %sign3A_9 = arith.extui %sign3A_8 : i1 to i32
    %sign3A_10 = arith.constant 0 : i32
    %sign3A_11 = arith.cmpi slt, %jit3A, %sign3A_10 : i32
    %sign3A_12 = arith.extui %sign3A_11 : i1 to i32
    %sign3A_13 = arith.subi %sign3A_9, %sign3A_12 : i32
    %ne3A = arith.cmpi ne, %sign3A_6, %sign3A_13 : i32
    %rem3A = arith.remsi %add3A, %jit3A : i32
    %ne3A_14 = arith.constant 0 : i32
    %ne3A_15 = arith.cmpi ne, %rem3A, %ne3A_14 : i32
    %and3A = arith.andi %ne3A, %ne3A_15 : i1
    %sub3A = arith.constant 1 : i32
    %sub3A_16 = arith.subi %div3A, %sub3A : i32
    %select_n3A = arith.select %and3A, %sub3A_16, %div3A : i32
    %jit3A_17 = arith.constant 8 : i32
    %eq3A = arith.constant 0 : i32
    %eq3A_18 = arith.cmpi eq, %jit3A_17, %eq3A : i32
    %jit3A_19 = arith.constant 1 : i32
    %select_n3A_20 = arith.select %eq3A_18, %jit3A_19, %jit3A_17 : i32
    %rem3A_21 = arith.remsi %add3A, %select_n3A_20 : i32
    %ne3A_22 = arith.constant 0 : i32
    %ne3A_23 = arith.cmpi ne, %rem3A_21, %ne3A_22 : i32
    %lt3A = arith.constant 0 : i32
    %lt3A_24 = arith.cmpi slt, %rem3A_21, %lt3A : i32
    %lt3A_25 = arith.constant 0 : i32
    %lt3A_26 = arith.cmpi slt, %select_n3A_20, %lt3A_25 : i32
    %ne3A_27 = arith.xori %lt3A_24, %lt3A_26 : i1
    %and3A_28 = arith.andi %ne3A_27, %ne3A_23 : i1
    %add3A_29 = arith.addi %rem3A_21, %select_n3A_20 : i32
    %select_n3A_30 = arith.select %and3A_28, %add3A_29, %rem3A_21 : i32
    %mul3A_31 = arith.constant 512 : i32
    %mul3A_32 = arith.muli %select_n3A_30, %mul3A_31 : i32
    "tpu.region"() ({
      %run_scoped3A = tpu.sem_alloc : memref<!tpu.dma_semaphore, #tpu.memory_space<semaphore_mem>>
      %dma_start3A_527 = tpu.memref_slice %arg2[%select_n3A, %mul3A_32] : memref<4x4096xi32, #tpu.memory_space<hbm>> -> memref<1x512xi32, #tpu.memory_space<hbm>>
      %dma_start3A_528 = tpu.memref_squeeze %dma_start3A_527 : memref<1x512xi32, #tpu.memory_space<hbm>> -> memref<512xi32, #tpu.memory_space<hbm>>
      %dma_start3A_529 = tpu.memref_slice %arg2[%select_n3A, %mul3A_32] : memref<4x4096xi32, #tpu.memory_space<hbm>> -> memref<1x512xi32, #tpu.memory_space<hbm>>
      %dma_start3A_530 = tpu.memref_squeeze %dma_start3A_529 : memref<1x512xi32, #tpu.memory_space<hbm>> -> memref<512xi32, #tpu.memory_space<hbm>>
      tpu.enqueue_dma source(%dma_start3A_530 : memref<512xi32, #tpu.memory_space<hbm>>) target(%arg5 : memref<512xi32, #tpu.memory_space<vmem>>) target_semaphore(%run_scoped3A : memref<!tpu.dma_semaphore, #tpu.memory_space<semaphore_mem>>)
      %dma_wait3A_531 = tpu.memref_slice %arg2[%select_n3A, %mul3A_32] : memref<4x4096xi32, #tpu.memory_space<hbm>> -> memref<1x512xi32, #tpu.memory_space<hbm>>
      %dma_wait3A_532 = tpu.memref_squeeze %dma_wait3A_531 : memref<1x512xi32, #tpu.memory_space<hbm>> -> memref<512xi32, #tpu.memory_space<hbm>>
      %dma_wait3A_533 = tpu.memref_slice %arg2[%select_n3A, %mul3A_32] : memref<4x4096xi32, #tpu.memory_space<hbm>> -> memref<1x512xi32, #tpu.memory_space<hbm>>
      %dma_wait3A_534 = tpu.memref_squeeze %dma_wait3A_533 : memref<1x512xi32, #tpu.memory_space<hbm>> -> memref<512xi32, #tpu.memory_space<hbm>>
      tpu.wait_dma2 semaphore(%run_scoped3A : memref<!tpu.dma_semaphore, #tpu.memory_space<semaphore_mem>>) src(%dma_wait3A_534 : memref<512xi32, #tpu.memory_space<hbm>>) dst(%arg5 : memref<512xi32, #tpu.memory_space<vmem>>)
      tpu.yield
    }) : () -> ()
    %mul3A_33 = arith.constant 512 : i32
    %mul3A_34 = arith.muli %add3A, %mul3A_33 : i32
    %dma_start3A = arith.constant 0 : i32
    %dma_start3A_35 = arith.constant 0 : i32
    %dma_start3A_36 = tpu.memref_slice %arg6[%dma_start3A, %dma_start3A_35] : memref<40x1024xf32, #tpu.memory_space<vmem>> -> memref<40x1024xf32, #tpu.memory_space<vmem>>
    %dma_start3A_37 = arith.constant 0 : i32
    %dma_start3A_38 = tpu.memref_slice %arg5[%dma_start3A_37] : memref<512xi32, #tpu.memory_space<vmem>> -> memref<40xi32, #tpu.memory_space<vmem>>
    %dma_start3A_39 = arith.constant 0 : i32
    %dma_start3A_40 = arith.constant 0 : i32
    %dma_start3A_41 = tpu.memref_slice %arg3[%dma_start3A_39, %dma_start3A_40] : memref<50257x1024xf32, #tpu.memory_space<hbm>> -> memref<50257x1024xf32, #tpu.memory_space<hbm>>
    tpu.enqueue_indirect_dma source(%dma_start3A_41 : memref<50257x1024xf32, #tpu.memory_space<hbm>>) target(%dma_start3A_36 : memref<40x1024xf32, #tpu.memory_space<vmem>>) offsets(%dma_start3A_38 : memref<40xi32, #tpu.memory_space<vmem>>) semaphore(%arg9 : memref<!tpu.dma_semaphore, #tpu.memory_space<semaphore_mem>>)
    %dma_start3A_42 = arith.constant 0 : i32
    %dma_start3A_43 = arith.constant 0 : i32
    %dma_start3A_44 = tpu.memref_slice %arg7[%dma_start3A_42, %dma_start3A_43] : memref<40x1024xf32, #tpu.memory_space<vmem>> -> memref<40x1024xf32, #tpu.memory_space<vmem>>
    %dma_start3A_45 = arith.constant 40 : i32
    %dma_start3A_46 = tpu.memref_slice %arg5[%dma_start3A_45] : memref<512xi32, #tpu.memory_space<vmem>> -> memref<40xi32, #tpu.memory_space<vmem>>
    %dma_start3A_47 = arith.constant 0 : i32
    %dma_start3A_48 = arith.constant 0 : i32
    %dma_start3A_49 = tpu.memref_slice %arg3[%dma_start3A_47, %dma_start3A_48] : memref<50257x1024xf32, #tpu.memory_space<hbm>> -> memref<50257x1024xf32, #tpu.memory_space<hbm>>
    tpu.enqueue_indirect_dma source(%dma_start3A_49 : memref<50257x1024xf32, #tpu.memory_space<hbm>>) target(%dma_start3A_44 : memref<40x1024xf32, #tpu.memory_space<vmem>>) offsets(%dma_start3A_46 : memref<40xi32, #tpu.memory_space<vmem>>) semaphore(%arg10 : memref<!tpu.dma_semaphore, #tpu.memory_space<semaphore_mem>>)
    %dma_wait3A = arith.constant 0 : i32
    %dma_wait3A_50 = arith.constant 0 : i32
    %dma_wait3A_51 = tpu.memref_slice %arg6[%dma_wait3A, %dma_wait3A_50] : memref<40x1024xf32, #tpu.memory_space<vmem>> -> memref<40x1024xf32, #tpu.memory_space<vmem>>
    %dma_wait3A_52 = arith.constant 0 : i32
    %dma_wait3A_53 = tpu.memref_slice %arg5[%dma_wait3A_52] : memref<512xi32, #tpu.memory_space<vmem>> -> memref<40xi32, #tpu.memory_space<vmem>>
    %dma_wait3A_54 = arith.constant 0 : i32
    %dma_wait3A_55 = arith.constant 0 : i32
    %dma_wait3A_56 = tpu.memref_slice %arg3[%dma_wait3A_54, %dma_wait3A_55] : memref<50257x1024xf32, #tpu.memory_space<hbm>> -> memref<50257x1024xf32, #tpu.memory_space<hbm>>
    tpu.wait_indirect_dma semaphore(%arg9 : memref<!tpu.dma_semaphore, #tpu.memory_space<semaphore_mem>>) src(%dma_wait3A_56 : memref<50257x1024xf32, #tpu.memory_space<hbm>>) dst(%dma_wait3A_51 : memref<40x1024xf32, #tpu.memory_space<vmem>>)
    %add3A_57 = arith.constant 0 : i32
    %add3A_58 = arith.addi %mul3A_34, %add3A_57 : i32
    %dma_start3A_59 = arith.constant 0 : i32
    %dma_start3A_60 = arith.constant 0 : i32
    %dma_start3A_61 = tpu.memref_slice %arg6[%dma_start3A_59, %dma_start3A_60] : memref<40x1024xf32, #tpu.memory_space<vmem>> -> memref<40x1024xf32, #tpu.memory_space<vmem>>
    %dma_start3A_62 = arith.constant 0 : i32
    %dma_start3A_63 = tpu.memref_slice %arg4[%add3A_58, %dma_start3A_62] : memref<16384x1024xf32, #tpu.memory_space<hbm>> -> memref<40x1024xf32, #tpu.memory_space<hbm>>
    %dma_start3A_64 = arith.constant 0 : i32
    %dma_start3A_65 = tpu.memref_slice %arg4[%add3A_58, %dma_start3A_64] : memref<16384x1024xf32, #tpu.memory_space<hbm>> -> memref<40x1024xf32, #tpu.memory_space<hbm>>
    %dma_start3A_66 = arith.constant 0 : i32
    %dma_start3A_67 = arith.constant 0 : i32
    %dma_start3A_68 = tpu.memref_slice %arg6[%dma_start3A_66, %dma_start3A_67] : memref<40x1024xf32, #tpu.memory_space<vmem>> -> memref<40x1024xf32, #tpu.memory_space<vmem>>
    tpu.enqueue_dma source(%dma_start3A_68 : memref<40x1024xf32, #tpu.memory_space<vmem>>) target(%dma_start3A_65 : memref<40x1024xf32, #tpu.memory_space<hbm>>) target_semaphore(%arg12 : memref<!tpu.dma_semaphore, #tpu.memory_space<semaphore_mem>>)
    %dma_start3A_69 = arith.constant 0 : i32
    %dma_start3A_70 = arith.constant 0 : i32
    %dma_start3A_71 = tpu.memref_slice %arg8[%dma_start3A_69, %dma_start3A_70] : memref<40x1024xf32, #tpu.memory_space<vmem>> -> memref<40x1024xf32, #tpu.memory_space<vmem>>
    %dma_start3A_72 = arith.constant 80 : i32
    %dma_start3A_73 = tpu.memref_slice %arg5[%dma_start3A_72] : memref<512xi32, #tpu.memory_space<vmem>> -> memref<40xi32, #tpu.memory_space<vmem>>
    %dma_start3A_74 = arith.constant 0 : i32
    %dma_start3A_75 = arith.constant 0 : i32
    %dma_start3A_76 = tpu.memref_slice %arg3[%dma_start3A_74, %dma_start3A_75] : memref<50257x1024xf32, #tpu.memory_space<hbm>> -> memref<50257x1024xf32, #tpu.memory_space<hbm>>
    tpu.enqueue_indirect_dma source(%dma_start3A_76 : memref<50257x1024xf32, #tpu.memory_space<hbm>>) target(%dma_start3A_71 : memref<40x1024xf32, #tpu.memory_space<vmem>>) offsets(%dma_start3A_73 : memref<40xi32, #tpu.memory_space<vmem>>) semaphore(%arg11 : memref<!tpu.dma_semaphore, #tpu.memory_space<semaphore_mem>>)
    %dma_wait3A_77 = arith.constant 0 : i32
    %dma_wait3A_78 = arith.constant 0 : i32
    %dma_wait3A_79 = tpu.memref_slice %arg7[%dma_wait3A_77, %dma_wait3A_78] : memref<40x1024xf32, #tpu.memory_space<vmem>> -> memref<40x1024xf32, #tpu.memory_space<vmem>>
    %dma_wait3A_80 = arith.constant 40 : i32
    %dma_wait3A_81 = tpu.memref_slice %arg5[%dma_wait3A_80] : memref<512xi32, #tpu.memory_space<vmem>> -> memref<40xi32, #tpu.memory_space<vmem>>
    %dma_wait3A_82 = arith.constant 0 : i32
    %dma_wait3A_83 = arith.constant 0 : i32
    %dma_wait3A_84 = tpu.memref_slice %arg3[%dma_wait3A_82, %dma_wait3A_83] : memref<50257x1024xf32, #tpu.memory_space<hbm>> -> memref<50257x1024xf32, #tpu.memory_space<hbm>>
    tpu.wait_indirect_dma semaphore(%arg10 : memref<!tpu.dma_semaphore, #tpu.memory_space<semaphore_mem>>) src(%dma_wait3A_84 : memref<50257x1024xf32, #tpu.memory_space<hbm>>) dst(%dma_wait3A_79 : memref<40x1024xf32, #tpu.memory_space<vmem>>)
    %add3A_85 = arith.constant 40 : i32
    %add3A_86 = arith.addi %mul3A_34, %add3A_85 : i32
    %dma_start3A_87 = arith.constant 0 : i32
    %dma_start3A_88 = arith.constant 0 : i32
    %dma_start3A_89 = tpu.memref_slice %arg7[%dma_start3A_87, %dma_start3A_88] : memref<40x1024xf32, #tpu.memory_space<vmem>> -> memref<40x1024xf32, #tpu.memory_space<vmem>>
    %dma_start3A_90 = arith.constant 0 : i32
    %dma_start3A_91 = tpu.memref_slice %arg4[%add3A_86, %dma_start3A_90] : memref<16384x1024xf32, #tpu.memory_space<hbm>> -> memref<40x1024xf32, #tpu.memory_space<hbm>>
    %dma_start3A_92 = arith.constant 0 : i32
    %dma_start3A_93 = tpu.memref_slice %arg4[%add3A_86, %dma_start3A_92] : memref<16384x1024xf32, #tpu.memory_space<hbm>> -> memref<40x1024xf32, #tpu.memory_space<hbm>>
    %dma_start3A_94 = arith.constant 0 : i32
    %dma_start3A_95 = arith.constant 0 : i32
    %dma_start3A_96 = tpu.memref_slice %arg7[%dma_start3A_94, %dma_start3A_95] : memref<40x1024xf32, #tpu.memory_space<vmem>> -> memref<40x1024xf32, #tpu.memory_space<vmem>>
    tpu.enqueue_dma source(%dma_start3A_96 : memref<40x1024xf32, #tpu.memory_space<vmem>>) target(%dma_start3A_93 : memref<40x1024xf32, #tpu.memory_space<hbm>>) target_semaphore(%arg13 : memref<!tpu.dma_semaphore, #tpu.memory_space<semaphore_mem>>)
    %dma_wait3A_97 = arith.constant 0 : i32
    %dma_wait3A_98 = arith.constant 0 : i32
    %dma_wait3A_99 = tpu.memref_slice %arg6[%dma_wait3A_97, %dma_wait3A_98] : memref<40x1024xf32, #tpu.memory_space<vmem>> -> memref<40x1024xf32, #tpu.memory_space<vmem>>
    %dma_wait3A_100 = arith.constant 0 : i32
    %dma_wait3A_101 = tpu.memref_slice %arg4[%add3A_58, %dma_wait3A_100] : memref<16384x1024xf32, #tpu.memory_space<hbm>> -> memref<40x1024xf32, #tpu.memory_space<hbm>>
    %dma_wait3A_102 = arith.constant 0 : i32
    %dma_wait3A_103 = tpu.memref_slice %arg4[%add3A_58, %dma_wait3A_102] : memref<16384x1024xf32, #tpu.memory_space<hbm>> -> memref<40x1024xf32, #tpu.memory_space<hbm>>
    %dma_wait3A_104 = arith.constant 0 : i32
    %dma_wait3A_105 = arith.constant 0 : i32
    %dma_wait3A_106 = tpu.memref_slice %arg6[%dma_wait3A_104, %dma_wait3A_105] : memref<40x1024xf32, #tpu.memory_space<vmem>> -> memref<40x1024xf32, #tpu.memory_space<vmem>>
    tpu.wait_dma2 semaphore(%arg12 : memref<!tpu.dma_semaphore, #tpu.memory_space<semaphore_mem>>) src(%dma_wait3A_106 : memref<40x1024xf32, #tpu.memory_space<vmem>>) dst(%dma_wait3A_103 : memref<40x1024xf32, #tpu.memory_space<hbm>>)
    %dma_start3A_107 = arith.constant 0 : i32
    %dma_start3A_108 = arith.constant 0 : i32
    %dma_start3A_109 = tpu.memref_slice %arg6[%dma_start3A_107, %dma_start3A_108] : memref<40x1024xf32, #tpu.memory_space<vmem>> -> memref<40x1024xf32, #tpu.memory_space<vmem>>
    %dma_start3A_110 = arith.constant 120 : i32
    %dma_start3A_111 = tpu.memref_slice %arg5[%dma_start3A_110] : memref<512xi32, #tpu.memory_space<vmem>> -> memref<40xi32, #tpu.memory_space<vmem>>
    %dma_start3A_112 = arith.constant 0 : i32
    %dma_start3A_113 = arith.constant 0 : i32
    %dma_start3A_114 = tpu.memref_slice %arg3[%dma_start3A_112, %dma_start3A_113] : memref<50257x1024xf32, #tpu.memory_space<hbm>> -> memref<50257x1024xf32, #tpu.memory_space<hbm>>
    tpu.enqueue_indirect_dma source(%dma_start3A_114 : memref<50257x1024xf32, #tpu.memory_space<hbm>>) target(%dma_start3A_109 : memref<40x1024xf32, #tpu.memory_space<vmem>>) offsets(%dma_start3A_111 : memref<40xi32, #tpu.memory_space<vmem>>) semaphore(%arg9 : memref<!tpu.dma_semaphore, #tpu.memory_space<semaphore_mem>>)
    %dma_wait3A_115 = arith.constant 0 : i32
    %dma_wait3A_116 = arith.constant 0 : i32
    %dma_wait3A_117 = tpu.memref_slice %arg8[%dma_wait3A_115, %dma_wait3A_116] : memref<40x1024xf32, #tpu.memory_space<vmem>> -> memref<40x1024xf32, #tpu.memory_space<vmem>>
    %dma_wait3A_118 = arith.constant 80 : i32
    %dma_wait3A_119 = tpu.memref_slice %arg5[%dma_wait3A_118] : memref<512xi32, #tpu.memory_space<vmem>> -> memref<40xi32, #tpu.memory_space<vmem>>
    %dma_wait3A_120 = arith.constant 0 : i32
    %dma_wait3A_121 = arith.constant 0 : i32
    %dma_wait3A_122 = tpu.memref_slice %arg3[%dma_wait3A_120, %dma_wait3A_121] : memref<50257x1024xf32, #tpu.memory_space<hbm>> -> memref<50257x1024xf32, #tpu.memory_space<hbm>>
    tpu.wait_indirect_dma semaphore(%arg11 : memref<!tpu.dma_semaphore, #tpu.memory_space<semaphore_mem>>) src(%dma_wait3A_122 : memref<50257x1024xf32, #tpu.memory_space<hbm>>) dst(%dma_wait3A_117 : memref<40x1024xf32, #tpu.memory_space<vmem>>)
    %add3A_123 = arith.constant 80 : i32
    %add3A_124 = arith.addi %mul3A_34, %add3A_123 : i32
    %dma_start3A_125 = arith.constant 0 : i32
    %dma_start3A_126 = arith.constant 0 : i32
    %dma_start3A_127 = tpu.memref_slice %arg8[%dma_start3A_125, %dma_start3A_126] : memref<40x1024xf32, #tpu.memory_space<vmem>> -> memref<40x1024xf32, #tpu.memory_space<vmem>>
    %dma_start3A_128 = arith.constant 0 : i32
    %dma_start3A_129 = tpu.memref_slice %arg4[%add3A_124, %dma_start3A_128] : memref<16384x1024xf32, #tpu.memory_space<hbm>> -> memref<40x1024xf32, #tpu.memory_space<hbm>>
    %dma_start3A_130 = arith.constant 0 : i32
    %dma_start3A_131 = tpu.memref_slice %arg4[%add3A_124, %dma_start3A_130] : memref<16384x1024xf32, #tpu.memory_space<hbm>> -> memref<40x1024xf32, #tpu.memory_space<hbm>>
    %dma_start3A_132 = arith.constant 0 : i32
    %dma_start3A_133 = arith.constant 0 : i32
    %dma_start3A_134 = tpu.memref_slice %arg8[%dma_start3A_132, %dma_start3A_133] : memref<40x1024xf32, #tpu.memory_space<vmem>> -> memref<40x1024xf32, #tpu.memory_space<vmem>>
    tpu.enqueue_dma source(%dma_start3A_134 : memref<40x1024xf32, #tpu.memory_space<vmem>>) target(%dma_start3A_131 : memref<40x1024xf32, #tpu.memory_space<hbm>>) target_semaphore(%arg14 : memref<!tpu.dma_semaphore, #tpu.memory_space<semaphore_mem>>)
    %dma_wait3A_135 = arith.constant 0 : i32
    %dma_wait3A_136 = arith.constant 0 : i32
    %dma_wait3A_137 = tpu.memref_slice %arg7[%dma_wait3A_135, %dma_wait3A_136] : memref<40x1024xf32, #tpu.memory_space<vmem>> -> memref<40x1024xf32, #tpu.memory_space<vmem>>
    %dma_wait3A_138 = arith.constant 0 : i32
    %dma_wait3A_139 = tpu.memref_slice %arg4[%add3A_86, %dma_wait3A_138] : memref<16384x1024xf32, #tpu.memory_space<hbm>> -> memref<40x1024xf32, #tpu.memory_space<hbm>>
    %dma_wait3A_140 = arith.constant 0 : i32
    %dma_wait3A_141 = tpu.memref_slice %arg4[%add3A_86, %dma_wait3A_140] : memref<16384x1024xf32, #tpu.memory_space<hbm>> -> memref<40x1024xf32, #tpu.memory_space<hbm>>
    %dma_wait3A_142 = arith.constant 0 : i32
    %dma_wait3A_143 = arith.constant 0 : i32
    %dma_wait3A_144 = tpu.memref_slice %arg7[%dma_wait3A_142, %dma_wait3A_143] : memref<40x1024xf32, #tpu.memory_space<vmem>> -> memref<40x1024xf32, #tpu.memory_space<vmem>>
    tpu.wait_dma2 semaphore(%arg13 : memref<!tpu.dma_semaphore, #tpu.memory_space<semaphore_mem>>) src(%dma_wait3A_144 : memref<40x1024xf32, #tpu.memory_space<vmem>>) dst(%dma_wait3A_141 : memref<40x1024xf32, #tpu.memory_space<hbm>>)
    %dma_start3A_145 = arith.constant 0 : i32
    %dma_start3A_146 = arith.constant 0 : i32
    %dma_start3A_147 = tpu.memref_slice %arg7[%dma_start3A_145, %dma_start3A_146] : memref<40x1024xf32, #tpu.memory_space<vmem>> -> memref<40x1024xf32, #tpu.memory_space<vmem>>
    %dma_start3A_148 = arith.constant 160 : i32
    %dma_start3A_149 = tpu.memref_slice %arg5[%dma_start3A_148] : memref<512xi32, #tpu.memory_space<vmem>> -> memref<40xi32, #tpu.memory_space<vmem>>
    %dma_start3A_150 = arith.constant 0 : i32
    %dma_start3A_151 = arith.constant 0 : i32
    %dma_start3A_152 = tpu.memref_slice %arg3[%dma_start3A_150, %dma_start3A_151] : memref<50257x1024xf32, #tpu.memory_space<hbm>> -> memref<50257x1024xf32, #tpu.memory_space<hbm>>
    tpu.enqueue_indirect_dma source(%dma_start3A_152 : memref<50257x1024xf32, #tpu.memory_space<hbm>>) target(%dma_start3A_147 : memref<40x1024xf32, #tpu.memory_space<vmem>>) offsets(%dma_start3A_149 : memref<40xi32, #tpu.memory_space<vmem>>) semaphore(%arg10 : memref<!tpu.dma_semaphore, #tpu.memory_space<semaphore_mem>>)
    %dma_wait3A_153 = arith.constant 0 : i32
    %dma_wait3A_154 = arith.constant 0 : i32
    %dma_wait3A_155 = tpu.memref_slice %arg6[%dma_wait3A_153, %dma_wait3A_154] : memref<40x1024xf32, #tpu.memory_space<vmem>> -> memref<40x1024xf32, #tpu.memory_space<vmem>>
    %dma_wait3A_156 = arith.constant 120 : i32
    %dma_wait3A_157 = tpu.memref_slice %arg5[%dma_wait3A_156] : memref<512xi32, #tpu.memory_space<vmem>> -> memref<40xi32, #tpu.memory_space<vmem>>
    %dma_wait3A_158 = arith.constant 0 : i32
    %dma_wait3A_159 = arith.constant 0 : i32
    %dma_wait3A_160 = tpu.memref_slice %arg3[%dma_wait3A_158, %dma_wait3A_159] : memref<50257x1024xf32, #tpu.memory_space<hbm>> -> memref<50257x1024xf32, #tpu.memory_space<hbm>>
    tpu.wait_indirect_dma semaphore(%arg9 : memref<!tpu.dma_semaphore, #tpu.memory_space<semaphore_mem>>) src(%dma_wait3A_160 : memref<50257x1024xf32, #tpu.memory_space<hbm>>) dst(%dma_wait3A_155 : memref<40x1024xf32, #tpu.memory_space<vmem>>)
    %add3A_161 = arith.constant 120 : i32
    %add3A_162 = arith.addi %mul3A_34, %add3A_161 : i32
    %dma_start3A_163 = arith.constant 0 : i32
    %dma_start3A_164 = arith.constant 0 : i32
    %dma_start3A_165 = tpu.memref_slice %arg6[%dma_start3A_163, %dma_start3A_164] : memref<40x1024xf32, #tpu.memory_space<vmem>> -> memref<40x1024xf32, #tpu.memory_space<vmem>>
    %dma_start3A_166 = arith.constant 0 : i32
    %dma_start3A_167 = tpu.memref_slice %arg4[%add3A_162, %dma_start3A_166] : memref<16384x1024xf32, #tpu.memory_space<hbm>> -> memref<40x1024xf32, #tpu.memory_space<hbm>>
    %dma_start3A_168 = arith.constant 0 : i32
    %dma_start3A_169 = tpu.memref_slice %arg4[%add3A_162, %dma_start3A_168] : memref<16384x1024xf32, #tpu.memory_space<hbm>> -> memref<40x1024xf32, #tpu.memory_space<hbm>>
    %dma_start3A_170 = arith.constant 0 : i32
    %dma_start3A_171 = arith.constant 0 : i32
    %dma_start3A_172 = tpu.memref_slice %arg6[%dma_start3A_170, %dma_start3A_171] : memref<40x1024xf32, #tpu.memory_space<vmem>> -> memref<40x1024xf32, #tpu.memory_space<vmem>>
    tpu.enqueue_dma source(%dma_start3A_172 : memref<40x1024xf32, #tpu.memory_space<vmem>>) target(%dma_start3A_169 : memref<40x1024xf32, #tpu.memory_space<hbm>>) target_semaphore(%arg12 : memref<!tpu.dma_semaphore, #tpu.memory_space<semaphore_mem>>)
    %dma_wait3A_173 = arith.constant 0 : i32
    %dma_wait3A_174 = arith.constant 0 : i32
    %dma_wait3A_175 = tpu.memref_slice %arg8[%dma_wait3A_173, %dma_wait3A_174] : memref<40x1024xf32, #tpu.memory_space<vmem>> -> memref<40x1024xf32, #tpu.memory_space<vmem>>
    %dma_wait3A_176 = arith.constant 0 : i32
    %dma_wait3A_177 = tpu.memref_slice %arg4[%add3A_124, %dma_wait3A_176] : memref<16384x1024xf32, #tpu.memory_space<hbm>> -> memref<40x1024xf32, #tpu.memory_space<hbm>>
    %dma_wait3A_178 = arith.constant 0 : i32
    %dma_wait3A_179 = tpu.memref_slice %arg4[%add3A_124, %dma_wait3A_178] : memref<16384x1024xf32, #tpu.memory_space<hbm>> -> memref<40x1024xf32, #tpu.memory_space<hbm>>
    %dma_wait3A_180 = arith.constant 0 : i32
    %dma_wait3A_181 = arith.constant 0 : i32
    %dma_wait3A_182 = tpu.memref_slice %arg8[%dma_wait3A_180, %dma_wait3A_181] : memref<40x1024xf32, #tpu.memory_space<vmem>> -> memref<40x1024xf32, #tpu.memory_space<vmem>>
    tpu.wait_dma2 semaphore(%arg14 : memref<!tpu.dma_semaphore, #tpu.memory_space<semaphore_mem>>) src(%dma_wait3A_182 : memref<40x1024xf32, #tpu.memory_space<vmem>>) dst(%dma_wait3A_179 : memref<40x1024xf32, #tpu.memory_space<hbm>>)
    %dma_start3A_183 = arith.constant 0 : i32
    %dma_start3A_184 = arith.constant 0 : i32
    %dma_start3A_185 = tpu.memref_slice %arg8[%dma_start3A_183, %dma_start3A_184] : memref<40x1024xf32, #tpu.memory_space<vmem>> -> memref<40x1024xf32, #tpu.memory_space<vmem>>
    %dma_start3A_186 = arith.constant 200 : i32
    %dma_start3A_187 = tpu.memref_slice %arg5[%dma_start3A_186] : memref<512xi32, #tpu.memory_space<vmem>> -> memref<40xi32, #tpu.memory_space<vmem>>
    %dma_start3A_188 = arith.constant 0 : i32
    %dma_start3A_189 = arith.constant 0 : i32
    %dma_start3A_190 = tpu.memref_slice %arg3[%dma_start3A_188, %dma_start3A_189] : memref<50257x1024xf32, #tpu.memory_space<hbm>> -> memref<50257x1024xf32, #tpu.memory_space<hbm>>
    tpu.enqueue_indirect_dma source(%dma_start3A_190 : memref<50257x1024xf32, #tpu.memory_space<hbm>>) target(%dma_start3A_185 : memref<40x1024xf32, #tpu.memory_space<vmem>>) offsets(%dma_start3A_187 : memref<40xi32, #tpu.memory_space<vmem>>) semaphore(%arg11 : memref<!tpu.dma_semaphore, #tpu.memory_space<semaphore_mem>>)
    %dma_wait3A_191 = arith.constant 0 : i32
    %dma_wait3A_192 = arith.constant 0 : i32
    %dma_wait3A_193 = tpu.memref_slice %arg7[%dma_wait3A_191, %dma_wait3A_192] : memref<40x1024xf32, #tpu.memory_space<vmem>> -> memref<40x1024xf32, #tpu.memory_space<vmem>>
    %dma_wait3A_194 = arith.constant 160 : i32
    %dma_wait3A_195 = tpu.memref_slice %arg5[%dma_wait3A_194] : memref<512xi32, #tpu.memory_space<vmem>> -> memref<40xi32, #tpu.memory_space<vmem>>
    %dma_wait3A_196 = arith.constant 0 : i32
    %dma_wait3A_197 = arith.constant 0 : i32
    %dma_wait3A_198 = tpu.memref_slice %arg3[%dma_wait3A_196, %dma_wait3A_197] : memref<50257x1024xf32, #tpu.memory_space<hbm>> -> memref<50257x1024xf32, #tpu.memory_space<hbm>>
    tpu.wait_indirect_dma semaphore(%arg10 : memref<!tpu.dma_semaphore, #tpu.memory_space<semaphore_mem>>) src(%dma_wait3A_198 : memref<50257x1024xf32, #tpu.memory_space<hbm>>) dst(%dma_wait3A_193 : memref<40x1024xf32, #tpu.memory_space<vmem>>)
    %add3A_199 = arith.constant 160 : i32
    %add3A_200 = arith.addi %mul3A_34, %add3A_199 : i32
    %dma_start3A_201 = arith.constant 0 : i32
    %dma_start3A_202 = arith.constant 0 : i32
    %dma_start3A_203 = tpu.memref_slice %arg7[%dma_start3A_201, %dma_start3A_202] : memref<40x1024xf32, #tpu.memory_space<vmem>> -> memref<40x1024xf32, #tpu.memory_space<vmem>>
    %dma_start3A_204 = arith.constant 0 : i32
    %dma_start3A_205 = tpu.memref_slice %arg4[%add3A_200, %dma_start3A_204] : memref<16384x1024xf32, #tpu.memory_space<hbm>> -> memref<40x1024xf32, #tpu.memory_space<hbm>>
    %dma_start3A_206 = arith.constant 0 : i32
    %dma_start3A_207 = tpu.memref_slice %arg4[%add3A_200, %dma_start3A_206] : memref<16384x1024xf32, #tpu.memory_space<hbm>> -> memref<40x1024xf32, #tpu.memory_space<hbm>>
    %dma_start3A_208 = arith.constant 0 : i32
    %dma_start3A_209 = arith.constant 0 : i32
    %dma_start3A_210 = tpu.memref_slice %arg7[%dma_start3A_208, %dma_start3A_209] : memref<40x1024xf32, #tpu.memory_space<vmem>> -> memref<40x1024xf32, #tpu.memory_space<vmem>>
    tpu.enqueue_dma source(%dma_start3A_210 : memref<40x1024xf32, #tpu.memory_space<vmem>>) target(%dma_start3A_207 : memref<40x1024xf32, #tpu.memory_space<hbm>>) target_semaphore(%arg13 : memref<!tpu.dma_semaphore, #tpu.memory_space<semaphore_mem>>)
    %dma_wait3A_211 = arith.constant 0 : i32
    %dma_wait3A_212 = arith.constant 0 : i32
    %dma_wait3A_213 = tpu.memref_slice %arg6[%dma_wait3A_211, %dma_wait3A_212] : memref<40x1024xf32, #tpu.memory_space<vmem>> -> memref<40x1024xf32, #tpu.memory_space<vmem>>
    %dma_wait3A_214 = arith.constant 0 : i32
    %dma_wait3A_215 = tpu.memref_slice %arg4[%add3A_162, %dma_wait3A_214] : memref<16384x1024xf32, #tpu.memory_space<hbm>> -> memref<40x1024xf32, #tpu.memory_space<hbm>>
    %dma_wait3A_216 = arith.constant 0 : i32
    %dma_wait3A_217 = tpu.memref_slice %arg4[%add3A_162, %dma_wait3A_216] : memref<16384x1024xf32, #tpu.memory_space<hbm>> -> memref<40x1024xf32, #tpu.memory_space<hbm>>
    %dma_wait3A_218 = arith.constant 0 : i32
    %dma_wait3A_219 = arith.constant 0 : i32
    %dma_wait3A_220 = tpu.memref_slice %arg6[%dma_wait3A_218, %dma_wait3A_219] : memref<40x1024xf32, #tpu.memory_space<vmem>> -> memref<40x1024xf32, #tpu.memory_space<vmem>>
    tpu.wait_dma2 semaphore(%arg12 : memref<!tpu.dma_semaphore, #tpu.memory_space<semaphore_mem>>) src(%dma_wait3A_220 : memref<40x1024xf32, #tpu.memory_space<vmem>>) dst(%dma_wait3A_217 : memref<40x1024xf32, #tpu.memory_space<hbm>>)
    %dma_start3A_221 = arith.constant 0 : i32
    %dma_start3A_222 = arith.constant 0 : i32
    %dma_start3A_223 = tpu.memref_slice %arg6[%dma_start3A_221, %dma_start3A_222] : memref<40x1024xf32, #tpu.memory_space<vmem>> -> memref<40x1024xf32, #tpu.memory_space<vmem>>
    %dma_start3A_224 = arith.constant 240 : i32
    %dma_start3A_225 = tpu.memref_slice %arg5[%dma_start3A_224] : memref<512xi32, #tpu.memory_space<vmem>> -> memref<40xi32, #tpu.memory_space<vmem>>
    %dma_start3A_226 = arith.constant 0 : i32
    %dma_start3A_227 = arith.constant 0 : i32
    %dma_start3A_228 = tpu.memref_slice %arg3[%dma_start3A_226, %dma_start3A_227] : memref<50257x1024xf32, #tpu.memory_space<hbm>> -> memref<50257x1024xf32, #tpu.memory_space<hbm>>
    tpu.enqueue_indirect_dma source(%dma_start3A_228 : memref<50257x1024xf32, #tpu.memory_space<hbm>>) target(%dma_start3A_223 : memref<40x1024xf32, #tpu.memory_space<vmem>>) offsets(%dma_start3A_225 : memref<40xi32, #tpu.memory_space<vmem>>) semaphore(%arg9 : memref<!tpu.dma_semaphore, #tpu.memory_space<semaphore_mem>>)
    %dma_wait3A_229 = arith.constant 0 : i32
    %dma_wait3A_230 = arith.constant 0 : i32
    %dma_wait3A_231 = tpu.memref_slice %arg8[%dma_wait3A_229, %dma_wait3A_230] : memref<40x1024xf32, #tpu.memory_space<vmem>> -> memref<40x1024xf32, #tpu.memory_space<vmem>>
    %dma_wait3A_232 = arith.constant 200 : i32
    %dma_wait3A_233 = tpu.memref_slice %arg5[%dma_wait3A_232] : memref<512xi32, #tpu.memory_space<vmem>> -> memref<40xi32, #tpu.memory_space<vmem>>
    %dma_wait3A_234 = arith.constant 0 : i32
    %dma_wait3A_235 = arith.constant 0 : i32
    %dma_wait3A_236 = tpu.memref_slice %arg3[%dma_wait3A_234, %dma_wait3A_235] : memref<50257x1024xf32, #tpu.memory_space<hbm>> -> memref<50257x1024xf32, #tpu.memory_space<hbm>>
    tpu.wait_indirect_dma semaphore(%arg11 : memref<!tpu.dma_semaphore, #tpu.memory_space<semaphore_mem>>) src(%dma_wait3A_236 : memref<50257x1024xf32, #tpu.memory_space<hbm>>) dst(%dma_wait3A_231 : memref<40x1024xf32, #tpu.memory_space<vmem>>)
    %add3A_237 = arith.constant 200 : i32
    %add3A_238 = arith.addi %mul3A_34, %add3A_237 : i32
    %dma_start3A_239 = arith.constant 0 : i32
    %dma_start3A_240 = arith.constant 0 : i32
    %dma_start3A_241 = tpu.memref_slice %arg8[%dma_start3A_239, %dma_start3A_240] : memref<40x1024xf32, #tpu.memory_space<vmem>> -> memref<40x1024xf32, #tpu.memory_space<vmem>>
    %dma_start3A_242 = arith.constant 0 : i32
    %dma_start3A_243 = tpu.memref_slice %arg4[%add3A_238, %dma_start3A_242] : memref<16384x1024xf32, #tpu.memory_space<hbm>> -> memref<40x1024xf32, #tpu.memory_space<hbm>>
    %dma_start3A_244 = arith.constant 0 : i32
    %dma_start3A_245 = tpu.memref_slice %arg4[%add3A_238, %dma_start3A_244] : memref<16384x1024xf32, #tpu.memory_space<hbm>> -> memref<40x1024xf32, #tpu.memory_space<hbm>>
    %dma_start3A_246 = arith.constant 0 : i32
    %dma_start3A_247 = arith.constant 0 : i32
    %dma_start3A_248 = tpu.memref_slice %arg8[%dma_start3A_246, %dma_start3A_247] : memref<40x1024xf32, #tpu.memory_space<vmem>> -> memref<40x1024xf32, #tpu.memory_space<vmem>>
    tpu.enqueue_dma source(%dma_start3A_248 : memref<40x1024xf32, #tpu.memory_space<vmem>>) target(%dma_start3A_245 : memref<40x1024xf32, #tpu.memory_space<hbm>>) target_semaphore(%arg14 : memref<!tpu.dma_semaphore, #tpu.memory_space<semaphore_mem>>)
    %dma_wait3A_249 = arith.constant 0 : i32
    %dma_wait3A_250 = arith.constant 0 : i32
    %dma_wait3A_251 = tpu.memref_slice %arg7[%dma_wait3A_249, %dma_wait3A_250] : memref<40x1024xf32, #tpu.memory_space<vmem>> -> memref<40x1024xf32, #tpu.memory_space<vmem>>
    %dma_wait3A_252 = arith.constant 0 : i32
    %dma_wait3A_253 = tpu.memref_slice %arg4[%add3A_200, %dma_wait3A_252] : memref<16384x1024xf32, #tpu.memory_space<hbm>> -> memref<40x1024xf32, #tpu.memory_space<hbm>>
    %dma_wait3A_254 = arith.constant 0 : i32
    %dma_wait3A_255 = tpu.memref_slice %arg4[%add3A_200, %dma_wait3A_254] : memref<16384x1024xf32, #tpu.memory_space<hbm>> -> memref<40x1024xf32, #tpu.memory_space<hbm>>
    %dma_wait3A_256 = arith.constant 0 : i32
    %dma_wait3A_257 = arith.constant 0 : i32
    %dma_wait3A_258 = tpu.memref_slice %arg7[%dma_wait3A_256, %dma_wait3A_257] : memref<40x1024xf32, #tpu.memory_space<vmem>> -> memref<40x1024xf32, #tpu.memory_space<vmem>>
    tpu.wait_dma2 semaphore(%arg13 : memref<!tpu.dma_semaphore, #tpu.memory_space<semaphore_mem>>) src(%dma_wait3A_258 : memref<40x1024xf32, #tpu.memory_space<vmem>>) dst(%dma_wait3A_255 : memref<40x1024xf32, #tpu.memory_space<hbm>>)
    %dma_start3A_259 = arith.constant 0 : i32
    %dma_start3A_260 = arith.constant 0 : i32
    %dma_start3A_261 = tpu.memref_slice %arg7[%dma_start3A_259, %dma_start3A_260] : memref<40x1024xf32, #tpu.memory_space<vmem>> -> memref<40x1024xf32, #tpu.memory_space<vmem>>
    %dma_start3A_262 = arith.constant 280 : i32
    %dma_start3A_263 = tpu.memref_slice %arg5[%dma_start3A_262] : memref<512xi32, #tpu.memory_space<vmem>> -> memref<40xi32, #tpu.memory_space<vmem>>
    %dma_start3A_264 = arith.constant 0 : i32
    %dma_start3A_265 = arith.constant 0 : i32
    %dma_start3A_266 = tpu.memref_slice %arg3[%dma_start3A_264, %dma_start3A_265] : memref<50257x1024xf32, #tpu.memory_space<hbm>> -> memref<50257x1024xf32, #tpu.memory_space<hbm>>
    tpu.enqueue_indirect_dma source(%dma_start3A_266 : memref<50257x1024xf32, #tpu.memory_space<hbm>>) target(%dma_start3A_261 : memref<40x1024xf32, #tpu.memory_space<vmem>>) offsets(%dma_start3A_263 : memref<40xi32, #tpu.memory_space<vmem>>) semaphore(%arg10 : memref<!tpu.dma_semaphore, #tpu.memory_space<semaphore_mem>>)
    %dma_wait3A_267 = arith.constant 0 : i32
    %dma_wait3A_268 = arith.constant 0 : i32
    %dma_wait3A_269 = tpu.memref_slice %arg6[%dma_wait3A_267, %dma_wait3A_268] : memref<40x1024xf32, #tpu.memory_space<vmem>> -> memref<40x1024xf32, #tpu.memory_space<vmem>>
    %dma_wait3A_270 = arith.constant 240 : i32
    %dma_wait3A_271 = tpu.memref_slice %arg5[%dma_wait3A_270] : memref<512xi32, #tpu.memory_space<vmem>> -> memref<40xi32, #tpu.memory_space<vmem>>
    %dma_wait3A_272 = arith.constant 0 : i32
    %dma_wait3A_273 = arith.constant 0 : i32
    %dma_wait3A_274 = tpu.memref_slice %arg3[%dma_wait3A_272, %dma_wait3A_273] : memref<50257x1024xf32, #tpu.memory_space<hbm>> -> memref<50257x1024xf32, #tpu.memory_space<hbm>>
    tpu.wait_indirect_dma semaphore(%arg9 : memref<!tpu.dma_semaphore, #tpu.memory_space<semaphore_mem>>) src(%dma_wait3A_274 : memref<50257x1024xf32, #tpu.memory_space<hbm>>) dst(%dma_wait3A_269 : memref<40x1024xf32, #tpu.memory_space<vmem>>)
    %add3A_275 = arith.constant 240 : i32
    %add3A_276 = arith.addi %mul3A_34, %add3A_275 : i32
    %dma_start3A_277 = arith.constant 0 : i32
    %dma_start3A_278 = arith.constant 0 : i32
    %dma_start3A_279 = tpu.memref_slice %arg6[%dma_start3A_277, %dma_start3A_278] : memref<40x1024xf32, #tpu.memory_space<vmem>> -> memref<40x1024xf32, #tpu.memory_space<vmem>>
    %dma_start3A_280 = arith.constant 0 : i32
    %dma_start3A_281 = tpu.memref_slice %arg4[%add3A_276, %dma_start3A_280] : memref<16384x1024xf32, #tpu.memory_space<hbm>> -> memref<40x1024xf32, #tpu.memory_space<hbm>>
    %dma_start3A_282 = arith.constant 0 : i32
    %dma_start3A_283 = tpu.memref_slice %arg4[%add3A_276, %dma_start3A_282] : memref<16384x1024xf32, #tpu.memory_space<hbm>> -> memref<40x1024xf32, #tpu.memory_space<hbm>>
    %dma_start3A_284 = arith.constant 0 : i32
    %dma_start3A_285 = arith.constant 0 : i32
    %dma_start3A_286 = tpu.memref_slice %arg6[%dma_start3A_284, %dma_start3A_285] : memref<40x1024xf32, #tpu.memory_space<vmem>> -> memref<40x1024xf32, #tpu.memory_space<vmem>>
    tpu.enqueue_dma source(%dma_start3A_286 : memref<40x1024xf32, #tpu.memory_space<vmem>>) target(%dma_start3A_283 : memref<40x1024xf32, #tpu.memory_space<hbm>>) target_semaphore(%arg12 : memref<!tpu.dma_semaphore, #tpu.memory_space<semaphore_mem>>)
    %dma_wait3A_287 = arith.constant 0 : i32
    %dma_wait3A_288 = arith.constant 0 : i32
    %dma_wait3A_289 = tpu.memref_slice %arg8[%dma_wait3A_287, %dma_wait3A_288] : memref<40x1024xf32, #tpu.memory_space<vmem>> -> memref<40x1024xf32, #tpu.memory_space<vmem>>
    %dma_wait3A_290 = arith.constant 0 : i32
    %dma_wait3A_291 = tpu.memref_slice %arg4[%add3A_238, %dma_wait3A_290] : memref<16384x1024xf32, #tpu.memory_space<hbm>> -> memref<40x1024xf32, #tpu.memory_space<hbm>>
    %dma_wait3A_292 = arith.constant 0 : i32
    %dma_wait3A_293 = tpu.memref_slice %arg4[%add3A_238, %dma_wait3A_292] : memref<16384x1024xf32, #tpu.memory_space<hbm>> -> memref<40x1024xf32, #tpu.memory_space<hbm>>
    %dma_wait3A_294 = arith.constant 0 : i32
    %dma_wait3A_295 = arith.constant 0 : i32
    %dma_wait3A_296 = tpu.memref_slice %arg8[%dma_wait3A_294, %dma_wait3A_295] : memref<40x1024xf32, #tpu.memory_space<vmem>> -> memref<40x1024xf32, #tpu.memory_space<vmem>>
    tpu.wait_dma2 semaphore(%arg14 : memref<!tpu.dma_semaphore, #tpu.memory_space<semaphore_mem>>) src(%dma_wait3A_296 : memref<40x1024xf32, #tpu.memory_space<vmem>>) dst(%dma_wait3A_293 : memref<40x1024xf32, #tpu.memory_space<hbm>>)
    %dma_start3A_297 = arith.constant 0 : i32
    %dma_start3A_298 = arith.constant 0 : i32
    %dma_start3A_299 = tpu.memref_slice %arg8[%dma_start3A_297, %dma_start3A_298] : memref<40x1024xf32, #tpu.memory_space<vmem>> -> memref<40x1024xf32, #tpu.memory_space<vmem>>
    %dma_start3A_300 = arith.constant 320 : i32
    %dma_start3A_301 = tpu.memref_slice %arg5[%dma_start3A_300] : memref<512xi32, #tpu.memory_space<vmem>> -> memref<40xi32, #tpu.memory_space<vmem>>
    %dma_start3A_302 = arith.constant 0 : i32
    %dma_start3A_303 = arith.constant 0 : i32
    %dma_start3A_304 = tpu.memref_slice %arg3[%dma_start3A_302, %dma_start3A_303] : memref<50257x1024xf32, #tpu.memory_space<hbm>> -> memref<50257x1024xf32, #tpu.memory_space<hbm>>
    tpu.enqueue_indirect_dma source(%dma_start3A_304 : memref<50257x1024xf32, #tpu.memory_space<hbm>>) target(%dma_start3A_299 : memref<40x1024xf32, #tpu.memory_space<vmem>>) offsets(%dma_start3A_301 : memref<40xi32, #tpu.memory_space<vmem>>) semaphore(%arg11 : memref<!tpu.dma_semaphore, #tpu.memory_space<semaphore_mem>>)
    %dma_wait3A_305 = arith.constant 0 : i32
    %dma_wait3A_306 = arith.constant 0 : i32
    %dma_wait3A_307 = tpu.memref_slice %arg7[%dma_wait3A_305, %dma_wait3A_306] : memref<40x1024xf32, #tpu.memory_space<vmem>> -> memref<40x1024xf32, #tpu.memory_space<vmem>>
    %dma_wait3A_308 = arith.constant 280 : i32
    %dma_wait3A_309 = tpu.memref_slice %arg5[%dma_wait3A_308] : memref<512xi32, #tpu.memory_space<vmem>> -> memref<40xi32, #tpu.memory_space<vmem>>
    %dma_wait3A_310 = arith.constant 0 : i32
    %dma_wait3A_311 = arith.constant 0 : i32
    %dma_wait3A_312 = tpu.memref_slice %arg3[%dma_wait3A_310, %dma_wait3A_311] : memref<50257x1024xf32, #tpu.memory_space<hbm>> -> memref<50257x1024xf32, #tpu.memory_space<hbm>>
    tpu.wait_indirect_dma semaphore(%arg10 : memref<!tpu.dma_semaphore, #tpu.memory_space<semaphore_mem>>) src(%dma_wait3A_312 : memref<50257x1024xf32, #tpu.memory_space<hbm>>) dst(%dma_wait3A_307 : memref<40x1024xf32, #tpu.memory_space<vmem>>)
    %add3A_313 = arith.constant 280 : i32
    %add3A_314 = arith.addi %mul3A_34, %add3A_313 : i32
    %dma_start3A_315 = arith.constant 0 : i32
    %dma_start3A_316 = arith.constant 0 : i32
    %dma_start3A_317 = tpu.memref_slice %arg7[%dma_start3A_315, %dma_start3A_316] : memref<40x1024xf32, #tpu.memory_space<vmem>> -> memref<40x1024xf32, #tpu.memory_space<vmem>>
    %dma_start3A_318 = arith.constant 0 : i32
    %dma_start3A_319 = tpu.memref_slice %arg4[%add3A_314, %dma_start3A_318] : memref<16384x1024xf32, #tpu.memory_space<hbm>> -> memref<40x1024xf32, #tpu.memory_space<hbm>>
    %dma_start3A_320 = arith.constant 0 : i32
    %dma_start3A_321 = tpu.memref_slice %arg4[%add3A_314, %dma_start3A_320] : memref<16384x1024xf32, #tpu.memory_space<hbm>> -> memref<40x1024xf32, #tpu.memory_space<hbm>>
    %dma_start3A_322 = arith.constant 0 : i32
    %dma_start3A_323 = arith.constant 0 : i32
    %dma_start3A_324 = tpu.memref_slice %arg7[%dma_start3A_322, %dma_start3A_323] : memref<40x1024xf32, #tpu.memory_space<vmem>> -> memref<40x1024xf32, #tpu.memory_space<vmem>>
    tpu.enqueue_dma source(%dma_start3A_324 : memref<40x1024xf32, #tpu.memory_space<vmem>>) target(%dma_start3A_321 : memref<40x1024xf32, #tpu.memory_space<hbm>>) target_semaphore(%arg13 : memref<!tpu.dma_semaphore, #tpu.memory_space<semaphore_mem>>)
    %dma_wait3A_325 = arith.constant 0 : i32
    %dma_wait3A_326 = arith.constant 0 : i32
    %dma_wait3A_327 = tpu.memref_slice %arg6[%dma_wait3A_325, %dma_wait3A_326] : memref<40x1024xf32, #tpu.memory_space<vmem>> -> memref<40x1024xf32, #tpu.memory_space<vmem>>
    %dma_wait3A_328 = arith.constant 0 : i32
    %dma_wait3A_329 = tpu.memref_slice %arg4[%add3A_276, %dma_wait3A_328] : memref<16384x1024xf32, #tpu.memory_space<hbm>> -> memref<40x1024xf32, #tpu.memory_space<hbm>>
    %dma_wait3A_330 = arith.constant 0 : i32
    %dma_wait3A_331 = tpu.memref_slice %arg4[%add3A_276, %dma_wait3A_330] : memref<16384x1024xf32, #tpu.memory_space<hbm>> -> memref<40x1024xf32, #tpu.memory_space<hbm>>
    %dma_wait3A_332 = arith.constant 0 : i32
    %dma_wait3A_333 = arith.constant 0 : i32
    %dma_wait3A_334 = tpu.memref_slice %arg6[%dma_wait3A_332, %dma_wait3A_333] : memref<40x1024xf32, #tpu.memory_space<vmem>> -> memref<40x1024xf32, #tpu.memory_space<vmem>>
    tpu.wait_dma2 semaphore(%arg12 : memref<!tpu.dma_semaphore, #tpu.memory_space<semaphore_mem>>) src(%dma_wait3A_334 : memref<40x1024xf32, #tpu.memory_space<vmem>>) dst(%dma_wait3A_331 : memref<40x1024xf32, #tpu.memory_space<hbm>>)
    %dma_start3A_335 = arith.constant 0 : i32
    %dma_start3A_336 = arith.constant 0 : i32
    %dma_start3A_337 = tpu.memref_slice %arg6[%dma_start3A_335, %dma_start3A_336] : memref<40x1024xf32, #tpu.memory_space<vmem>> -> memref<40x1024xf32, #tpu.memory_space<vmem>>
    %dma_start3A_338 = arith.constant 360 : i32
    %dma_start3A_339 = tpu.memref_slice %arg5[%dma_start3A_338] : memref<512xi32, #tpu.memory_space<vmem>> -> memref<40xi32, #tpu.memory_space<vmem>>
    %dma_start3A_340 = arith.constant 0 : i32
    %dma_start3A_341 = arith.constant 0 : i32
    %dma_start3A_342 = tpu.memref_slice %arg3[%dma_start3A_340, %dma_start3A_341] : memref<50257x1024xf32, #tpu.memory_space<hbm>> -> memref<50257x1024xf32, #tpu.memory_space<hbm>>
    tpu.enqueue_indirect_dma source(%dma_start3A_342 : memref<50257x1024xf32, #tpu.memory_space<hbm>>) target(%dma_start3A_337 : memref<40x1024xf32, #tpu.memory_space<vmem>>) offsets(%dma_start3A_339 : memref<40xi32, #tpu.memory_space<vmem>>) semaphore(%arg9 : memref<!tpu.dma_semaphore, #tpu.memory_space<semaphore_mem>>)
    %dma_wait3A_343 = arith.constant 0 : i32
    %dma_wait3A_344 = arith.constant 0 : i32
    %dma_wait3A_345 = tpu.memref_slice %arg8[%dma_wait3A_343, %dma_wait3A_344] : memref<40x1024xf32, #tpu.memory_space<vmem>> -> memref<40x1024xf32, #tpu.memory_space<vmem>>
    %dma_wait3A_346 = arith.constant 320 : i32
    %dma_wait3A_347 = tpu.memref_slice %arg5[%dma_wait3A_346] : memref<512xi32, #tpu.memory_space<vmem>> -> memref<40xi32, #tpu.memory_space<vmem>>
    %dma_wait3A_348 = arith.constant 0 : i32
    %dma_wait3A_349 = arith.constant 0 : i32
    %dma_wait3A_350 = tpu.memref_slice %arg3[%dma_wait3A_348, %dma_wait3A_349] : memref<50257x1024xf32, #tpu.memory_space<hbm>> -> memref<50257x1024xf32, #tpu.memory_space<hbm>>
    tpu.wait_indirect_dma semaphore(%arg11 : memref<!tpu.dma_semaphore, #tpu.memory_space<semaphore_mem>>) src(%dma_wait3A_350 : memref<50257x1024xf32, #tpu.memory_space<hbm>>) dst(%dma_wait3A_345 : memref<40x1024xf32, #tpu.memory_space<vmem>>)
    %add3A_351 = arith.constant 320 : i32
    %add3A_352 = arith.addi %mul3A_34, %add3A_351 : i32
    %dma_start3A_353 = arith.constant 0 : i32
    %dma_start3A_354 = arith.constant 0 : i32
    %dma_start3A_355 = tpu.memref_slice %arg8[%dma_start3A_353, %dma_start3A_354] : memref<40x1024xf32, #tpu.memory_space<vmem>> -> memref<40x1024xf32, #tpu.memory_space<vmem>>
    %dma_start3A_356 = arith.constant 0 : i32
    %dma_start3A_357 = tpu.memref_slice %arg4[%add3A_352, %dma_start3A_356] : memref<16384x1024xf32, #tpu.memory_space<hbm>> -> memref<40x1024xf32, #tpu.memory_space<hbm>>
    %dma_start3A_358 = arith.constant 0 : i32
    %dma_start3A_359 = tpu.memref_slice %arg4[%add3A_352, %dma_start3A_358] : memref<16384x1024xf32, #tpu.memory_space<hbm>> -> memref<40x1024xf32, #tpu.memory_space<hbm>>
    %dma_start3A_360 = arith.constant 0 : i32
    %dma_start3A_361 = arith.constant 0 : i32
    %dma_start3A_362 = tpu.memref_slice %arg8[%dma_start3A_360, %dma_start3A_361] : memref<40x1024xf32, #tpu.memory_space<vmem>> -> memref<40x1024xf32, #tpu.memory_space<vmem>>
    tpu.enqueue_dma source(%dma_start3A_362 : memref<40x1024xf32, #tpu.memory_space<vmem>>) target(%dma_start3A_359 : memref<40x1024xf32, #tpu.memory_space<hbm>>) target_semaphore(%arg14 : memref<!tpu.dma_semaphore, #tpu.memory_space<semaphore_mem>>)
    %dma_wait3A_363 = arith.constant 0 : i32
    %dma_wait3A_364 = arith.constant 0 : i32
    %dma_wait3A_365 = tpu.memref_slice %arg7[%dma_wait3A_363, %dma_wait3A_364] : memref<40x1024xf32, #tpu.memory_space<vmem>> -> memref<40x1024xf32, #tpu.memory_space<vmem>>
    %dma_wait3A_366 = arith.constant 0 : i32
    %dma_wait3A_367 = tpu.memref_slice %arg4[%add3A_314, %dma_wait3A_366] : memref<16384x1024xf32, #tpu.memory_space<hbm>> -> memref<40x1024xf32, #tpu.memory_space<hbm>>
    %dma_wait3A_368 = arith.constant 0 : i32
    %dma_wait3A_369 = tpu.memref_slice %arg4[%add3A_314, %dma_wait3A_368] : memref<16384x1024xf32, #tpu.memory_space<hbm>> -> memref<40x1024xf32, #tpu.memory_space<hbm>>
    %dma_wait3A_370 = arith.constant 0 : i32
    %dma_wait3A_371 = arith.constant 0 : i32
    %dma_wait3A_372 = tpu.memref_slice %arg7[%dma_wait3A_370, %dma_wait3A_371] : memref<40x1024xf32, #tpu.memory_space<vmem>> -> memref<40x1024xf32, #tpu.memory_space<vmem>>
    tpu.wait_dma2 semaphore(%arg13 : memref<!tpu.dma_semaphore, #tpu.memory_space<semaphore_mem>>) src(%dma_wait3A_372 : memref<40x1024xf32, #tpu.memory_space<vmem>>) dst(%dma_wait3A_369 : memref<40x1024xf32, #tpu.memory_space<hbm>>)
    %dma_start3A_373 = arith.constant 0 : i32
    %dma_start3A_374 = arith.constant 0 : i32
    %dma_start3A_375 = tpu.memref_slice %arg7[%dma_start3A_373, %dma_start3A_374] : memref<40x1024xf32, #tpu.memory_space<vmem>> -> memref<40x1024xf32, #tpu.memory_space<vmem>>
    %dma_start3A_376 = arith.constant 400 : i32
    %dma_start3A_377 = tpu.memref_slice %arg5[%dma_start3A_376] : memref<512xi32, #tpu.memory_space<vmem>> -> memref<40xi32, #tpu.memory_space<vmem>>
    %dma_start3A_378 = arith.constant 0 : i32
    %dma_start3A_379 = arith.constant 0 : i32
    %dma_start3A_380 = tpu.memref_slice %arg3[%dma_start3A_378, %dma_start3A_379] : memref<50257x1024xf32, #tpu.memory_space<hbm>> -> memref<50257x1024xf32, #tpu.memory_space<hbm>>
    tpu.enqueue_indirect_dma source(%dma_start3A_380 : memref<50257x1024xf32, #tpu.memory_space<hbm>>) target(%dma_start3A_375 : memref<40x1024xf32, #tpu.memory_space<vmem>>) offsets(%dma_start3A_377 : memref<40xi32, #tpu.memory_space<vmem>>) semaphore(%arg10 : memref<!tpu.dma_semaphore, #tpu.memory_space<semaphore_mem>>)
    %dma_wait3A_381 = arith.constant 0 : i32
    %dma_wait3A_382 = arith.constant 0 : i32
    %dma_wait3A_383 = tpu.memref_slice %arg6[%dma_wait3A_381, %dma_wait3A_382] : memref<40x1024xf32, #tpu.memory_space<vmem>> -> memref<40x1024xf32, #tpu.memory_space<vmem>>
    %dma_wait3A_384 = arith.constant 360 : i32
    %dma_wait3A_385 = tpu.memref_slice %arg5[%dma_wait3A_384] : memref<512xi32, #tpu.memory_space<vmem>> -> memref<40xi32, #tpu.memory_space<vmem>>
    %dma_wait3A_386 = arith.constant 0 : i32
    %dma_wait3A_387 = arith.constant 0 : i32
    %dma_wait3A_388 = tpu.memref_slice %arg3[%dma_wait3A_386, %dma_wait3A_387] : memref<50257x1024xf32, #tpu.memory_space<hbm>> -> memref<50257x1024xf32, #tpu.memory_space<hbm>>
    tpu.wait_indirect_dma semaphore(%arg9 : memref<!tpu.dma_semaphore, #tpu.memory_space<semaphore_mem>>) src(%dma_wait3A_388 : memref<50257x1024xf32, #tpu.memory_space<hbm>>) dst(%dma_wait3A_383 : memref<40x1024xf32, #tpu.memory_space<vmem>>)
    %add3A_389 = arith.constant 360 : i32
    %add3A_390 = arith.addi %mul3A_34, %add3A_389 : i32
    %dma_start3A_391 = arith.constant 0 : i32
    %dma_start3A_392 = arith.constant 0 : i32
    %dma_start3A_393 = tpu.memref_slice %arg6[%dma_start3A_391, %dma_start3A_392] : memref<40x1024xf32, #tpu.memory_space<vmem>> -> memref<40x1024xf32, #tpu.memory_space<vmem>>
    %dma_start3A_394 = arith.constant 0 : i32
    %dma_start3A_395 = tpu.memref_slice %arg4[%add3A_390, %dma_start3A_394] : memref<16384x1024xf32, #tpu.memory_space<hbm>> -> memref<40x1024xf32, #tpu.memory_space<hbm>>
    %dma_start3A_396 = arith.constant 0 : i32
    %dma_start3A_397 = tpu.memref_slice %arg4[%add3A_390, %dma_start3A_396] : memref<16384x1024xf32, #tpu.memory_space<hbm>> -> memref<40x1024xf32, #tpu.memory_space<hbm>>
    %dma_start3A_398 = arith.constant 0 : i32
    %dma_start3A_399 = arith.constant 0 : i32
    %dma_start3A_400 = tpu.memref_slice %arg6[%dma_start3A_398, %dma_start3A_399] : memref<40x1024xf32, #tpu.memory_space<vmem>> -> memref<40x1024xf32, #tpu.memory_space<vmem>>
    tpu.enqueue_dma source(%dma_start3A_400 : memref<40x1024xf32, #tpu.memory_space<vmem>>) target(%dma_start3A_397 : memref<40x1024xf32, #tpu.memory_space<hbm>>) target_semaphore(%arg12 : memref<!tpu.dma_semaphore, #tpu.memory_space<semaphore_mem>>)
    %dma_wait3A_401 = arith.constant 0 : i32
    %dma_wait3A_402 = arith.constant 0 : i32
    %dma_wait3A_403 = tpu.memref_slice %arg8[%dma_wait3A_401, %dma_wait3A_402] : memref<40x1024xf32, #tpu.memory_space<vmem>> -> memref<40x1024xf32, #tpu.memory_space<vmem>>
    %dma_wait3A_404 = arith.constant 0 : i32
    %dma_wait3A_405 = tpu.memref_slice %arg4[%add3A_352, %dma_wait3A_404] : memref<16384x1024xf32, #tpu.memory_space<hbm>> -> memref<40x1024xf32, #tpu.memory_space<hbm>>
    %dma_wait3A_406 = arith.constant 0 : i32
    %dma_wait3A_407 = tpu.memref_slice %arg4[%add3A_352, %dma_wait3A_406] : memref<16384x1024xf32, #tpu.memory_space<hbm>> -> memref<40x1024xf32, #tpu.memory_space<hbm>>
    %dma_wait3A_408 = arith.constant 0 : i32
    %dma_wait3A_409 = arith.constant 0 : i32
    %dma_wait3A_410 = tpu.memref_slice %arg8[%dma_wait3A_408, %dma_wait3A_409] : memref<40x1024xf32, #tpu.memory_space<vmem>> -> memref<40x1024xf32, #tpu.memory_space<vmem>>
    tpu.wait_dma2 semaphore(%arg14 : memref<!tpu.dma_semaphore, #tpu.memory_space<semaphore_mem>>) src(%dma_wait3A_410 : memref<40x1024xf32, #tpu.memory_space<vmem>>) dst(%dma_wait3A_407 : memref<40x1024xf32, #tpu.memory_space<hbm>>)
    %dma_start3A_411 = arith.constant 0 : i32
    %dma_start3A_412 = arith.constant 0 : i32
    %dma_start3A_413 = tpu.memref_slice %arg8[%dma_start3A_411, %dma_start3A_412] : memref<40x1024xf32, #tpu.memory_space<vmem>> -> memref<40x1024xf32, #tpu.memory_space<vmem>>
    %dma_start3A_414 = arith.constant 440 : i32
    %dma_start3A_415 = tpu.memref_slice %arg5[%dma_start3A_414] : memref<512xi32, #tpu.memory_space<vmem>> -> memref<40xi32, #tpu.memory_space<vmem>>
    %dma_start3A_416 = arith.constant 0 : i32
    %dma_start3A_417 = arith.constant 0 : i32
    %dma_start3A_418 = tpu.memref_slice %arg3[%dma_start3A_416, %dma_start3A_417] : memref<50257x1024xf32, #tpu.memory_space<hbm>> -> memref<50257x1024xf32, #tpu.memory_space<hbm>>
    tpu.enqueue_indirect_dma source(%dma_start3A_418 : memref<50257x1024xf32, #tpu.memory_space<hbm>>) target(%dma_start3A_413 : memref<40x1024xf32, #tpu.memory_space<vmem>>) offsets(%dma_start3A_415 : memref<40xi32, #tpu.memory_space<vmem>>) semaphore(%arg11 : memref<!tpu.dma_semaphore, #tpu.memory_space<semaphore_mem>>)
    %dma_wait3A_419 = arith.constant 0 : i32
    %dma_wait3A_420 = arith.constant 0 : i32
    %dma_wait3A_421 = tpu.memref_slice %arg7[%dma_wait3A_419, %dma_wait3A_420] : memref<40x1024xf32, #tpu.memory_space<vmem>> -> memref<40x1024xf32, #tpu.memory_space<vmem>>
    %dma_wait3A_422 = arith.constant 400 : i32
    %dma_wait3A_423 = tpu.memref_slice %arg5[%dma_wait3A_422] : memref<512xi32, #tpu.memory_space<vmem>> -> memref<40xi32, #tpu.memory_space<vmem>>
    %dma_wait3A_424 = arith.constant 0 : i32
    %dma_wait3A_425 = arith.constant 0 : i32
    %dma_wait3A_426 = tpu.memref_slice %arg3[%dma_wait3A_424, %dma_wait3A_425] : memref<50257x1024xf32, #tpu.memory_space<hbm>> -> memref<50257x1024xf32, #tpu.memory_space<hbm>>
    tpu.wait_indirect_dma semaphore(%arg10 : memref<!tpu.dma_semaphore, #tpu.memory_space<semaphore_mem>>) src(%dma_wait3A_426 : memref<50257x1024xf32, #tpu.memory_space<hbm>>) dst(%dma_wait3A_421 : memref<40x1024xf32, #tpu.memory_space<vmem>>)
    %add3A_427 = arith.constant 400 : i32
    %add3A_428 = arith.addi %mul3A_34, %add3A_427 : i32
    %dma_start3A_429 = arith.constant 0 : i32
    %dma_start3A_430 = arith.constant 0 : i32
    %dma_start3A_431 = tpu.memref_slice %arg7[%dma_start3A_429, %dma_start3A_430] : memref<40x1024xf32, #tpu.memory_space<vmem>> -> memref<40x1024xf32, #tpu.memory_space<vmem>>
    %dma_start3A_432 = arith.constant 0 : i32
    %dma_start3A_433 = tpu.memref_slice %arg4[%add3A_428, %dma_start3A_432] : memref<16384x1024xf32, #tpu.memory_space<hbm>> -> memref<40x1024xf32, #tpu.memory_space<hbm>>
    %dma_start3A_434 = arith.constant 0 : i32
    %dma_start3A_435 = tpu.memref_slice %arg4[%add3A_428, %dma_start3A_434] : memref<16384x1024xf32, #tpu.memory_space<hbm>> -> memref<40x1024xf32, #tpu.memory_space<hbm>>
    %dma_start3A_436 = arith.constant 0 : i32
    %dma_start3A_437 = arith.constant 0 : i32
    %dma_start3A_438 = tpu.memref_slice %arg7[%dma_start3A_436, %dma_start3A_437] : memref<40x1024xf32, #tpu.memory_space<vmem>> -> memref<40x1024xf32, #tpu.memory_space<vmem>>
    tpu.enqueue_dma source(%dma_start3A_438 : memref<40x1024xf32, #tpu.memory_space<vmem>>) target(%dma_start3A_435 : memref<40x1024xf32, #tpu.memory_space<hbm>>) target_semaphore(%arg13 : memref<!tpu.dma_semaphore, #tpu.memory_space<semaphore_mem>>)
    %dma_wait3A_439 = arith.constant 0 : i32
    %dma_wait3A_440 = arith.constant 0 : i32
    %dma_wait3A_441 = tpu.memref_slice %arg6[%dma_wait3A_439, %dma_wait3A_440] : memref<40x1024xf32, #tpu.memory_space<vmem>> -> memref<40x1024xf32, #tpu.memory_space<vmem>>
    %dma_wait3A_442 = arith.constant 0 : i32
    %dma_wait3A_443 = tpu.memref_slice %arg4[%add3A_390, %dma_wait3A_442] : memref<16384x1024xf32, #tpu.memory_space<hbm>> -> memref<40x1024xf32, #tpu.memory_space<hbm>>
    %dma_wait3A_444 = arith.constant 0 : i32
    %dma_wait3A_445 = tpu.memref_slice %arg4[%add3A_390, %dma_wait3A_444] : memref<16384x1024xf32, #tpu.memory_space<hbm>> -> memref<40x1024xf32, #tpu.memory_space<hbm>>
    %dma_wait3A_446 = arith.constant 0 : i32
    %dma_wait3A_447 = arith.constant 0 : i32
    %dma_wait3A_448 = tpu.memref_slice %arg6[%dma_wait3A_446, %dma_wait3A_447] : memref<40x1024xf32, #tpu.memory_space<vmem>> -> memref<40x1024xf32, #tpu.memory_space<vmem>>
    tpu.wait_dma2 semaphore(%arg12 : memref<!tpu.dma_semaphore, #tpu.memory_space<semaphore_mem>>) src(%dma_wait3A_448 : memref<40x1024xf32, #tpu.memory_space<vmem>>) dst(%dma_wait3A_445 : memref<40x1024xf32, #tpu.memory_space<hbm>>)
    %dma_start3A_449 = arith.constant 0 : i32
    %dma_start3A_450 = arith.constant 0 : i32
    %dma_start3A_451 = tpu.memref_slice %arg6[%dma_start3A_449, %dma_start3A_450] : memref<40x1024xf32, #tpu.memory_space<vmem>> -> memref<32x1024xf32, #tpu.memory_space<vmem>>
    %dma_start3A_452 = arith.constant 480 : i32
    %dma_start3A_453 = tpu.memref_slice %arg5[%dma_start3A_452] : memref<512xi32, #tpu.memory_space<vmem>> -> memref<32xi32, #tpu.memory_space<vmem>>
    %dma_start3A_454 = arith.constant 0 : i32
    %dma_start3A_455 = arith.constant 0 : i32
    %dma_start3A_456 = tpu.memref_slice %arg3[%dma_start3A_454, %dma_start3A_455] : memref<50257x1024xf32, #tpu.memory_space<hbm>> -> memref<50257x1024xf32, #tpu.memory_space<hbm>>
    tpu.enqueue_indirect_dma source(%dma_start3A_456 : memref<50257x1024xf32, #tpu.memory_space<hbm>>) target(%dma_start3A_451 : memref<32x1024xf32, #tpu.memory_space<vmem>>) offsets(%dma_start3A_453 : memref<32xi32, #tpu.memory_space<vmem>>) semaphore(%arg9 : memref<!tpu.dma_semaphore, #tpu.memory_space<semaphore_mem>>)
    %dma_wait3A_457 = arith.constant 0 : i32
    %dma_wait3A_458 = arith.constant 0 : i32
    %dma_wait3A_459 = tpu.memref_slice %arg8[%dma_wait3A_457, %dma_wait3A_458] : memref<40x1024xf32, #tpu.memory_space<vmem>> -> memref<40x1024xf32, #tpu.memory_space<vmem>>
    %dma_wait3A_460 = arith.constant 440 : i32
    %dma_wait3A_461 = tpu.memref_slice %arg5[%dma_wait3A_460] : memref<512xi32, #tpu.memory_space<vmem>> -> memref<40xi32, #tpu.memory_space<vmem>>
    %dma_wait3A_462 = arith.constant 0 : i32
    %dma_wait3A_463 = arith.constant 0 : i32
    %dma_wait3A_464 = tpu.memref_slice %arg3[%dma_wait3A_462, %dma_wait3A_463] : memref<50257x1024xf32, #tpu.memory_space<hbm>> -> memref<50257x1024xf32, #tpu.memory_space<hbm>>
    tpu.wait_indirect_dma semaphore(%arg11 : memref<!tpu.dma_semaphore, #tpu.memory_space<semaphore_mem>>) src(%dma_wait3A_464 : memref<50257x1024xf32, #tpu.memory_space<hbm>>) dst(%dma_wait3A_459 : memref<40x1024xf32, #tpu.memory_space<vmem>>)
    %add3A_465 = arith.constant 440 : i32
    %add3A_466 = arith.addi %mul3A_34, %add3A_465 : i32
    %dma_start3A_467 = arith.constant 0 : i32
    %dma_start3A_468 = arith.constant 0 : i32
    %dma_start3A_469 = tpu.memref_slice %arg8[%dma_start3A_467, %dma_start3A_468] : memref<40x1024xf32, #tpu.memory_space<vmem>> -> memref<40x1024xf32, #tpu.memory_space<vmem>>
    %dma_start3A_470 = arith.constant 0 : i32
    %dma_start3A_471 = tpu.memref_slice %arg4[%add3A_466, %dma_start3A_470] : memref<16384x1024xf32, #tpu.memory_space<hbm>> -> memref<40x1024xf32, #tpu.memory_space<hbm>>
    %dma_start3A_472 = arith.constant 0 : i32
    %dma_start3A_473 = tpu.memref_slice %arg4[%add3A_466, %dma_start3A_472] : memref<16384x1024xf32, #tpu.memory_space<hbm>> -> memref<40x1024xf32, #tpu.memory_space<hbm>>
    %dma_start3A_474 = arith.constant 0 : i32
    %dma_start3A_475 = arith.constant 0 : i32
    %dma_start3A_476 = tpu.memref_slice %arg8[%dma_start3A_474, %dma_start3A_475] : memref<40x1024xf32, #tpu.memory_space<vmem>> -> memref<40x1024xf32, #tpu.memory_space<vmem>>
    tpu.enqueue_dma source(%dma_start3A_476 : memref<40x1024xf32, #tpu.memory_space<vmem>>) target(%dma_start3A_473 : memref<40x1024xf32, #tpu.memory_space<hbm>>) target_semaphore(%arg14 : memref<!tpu.dma_semaphore, #tpu.memory_space<semaphore_mem>>)
    %dma_wait3A_477 = arith.constant 0 : i32
    %dma_wait3A_478 = arith.constant 0 : i32
    %dma_wait3A_479 = tpu.memref_slice %arg7[%dma_wait3A_477, %dma_wait3A_478] : memref<40x1024xf32, #tpu.memory_space<vmem>> -> memref<40x1024xf32, #tpu.memory_space<vmem>>
    %dma_wait3A_480 = arith.constant 0 : i32
    %dma_wait3A_481 = tpu.memref_slice %arg4[%add3A_428, %dma_wait3A_480] : memref<16384x1024xf32, #tpu.memory_space<hbm>> -> memref<40x1024xf32, #tpu.memory_space<hbm>>
    %dma_wait3A_482 = arith.constant 0 : i32
    %dma_wait3A_483 = tpu.memref_slice %arg4[%add3A_428, %dma_wait3A_482] : memref<16384x1024xf32, #tpu.memory_space<hbm>> -> memref<40x1024xf32, #tpu.memory_space<hbm>>
    %dma_wait3A_484 = arith.constant 0 : i32
    %dma_wait3A_485 = arith.constant 0 : i32
    %dma_wait3A_486 = tpu.memref_slice %arg7[%dma_wait3A_484, %dma_wait3A_485] : memref<40x1024xf32, #tpu.memory_space<vmem>> -> memref<40x1024xf32, #tpu.memory_space<vmem>>
    tpu.wait_dma2 semaphore(%arg13 : memref<!tpu.dma_semaphore, #tpu.memory_space<semaphore_mem>>) src(%dma_wait3A_486 : memref<40x1024xf32, #tpu.memory_space<vmem>>) dst(%dma_wait3A_483 : memref<40x1024xf32, #tpu.memory_space<hbm>>)
    %dma_wait3A_487 = arith.constant 0 : i32
    %dma_wait3A_488 = arith.constant 0 : i32
    %dma_wait3A_489 = tpu.memref_slice %arg6[%dma_wait3A_487, %dma_wait3A_488] : memref<40x1024xf32, #tpu.memory_space<vmem>> -> memref<32x1024xf32, #tpu.memory_space<vmem>>
    %dma_wait3A_490 = arith.constant 480 : i32
    %dma_wait3A_491 = tpu.memref_slice %arg5[%dma_wait3A_490] : memref<512xi32, #tpu.memory_space<vmem>> -> memref<32xi32, #tpu.memory_space<vmem>>
    %dma_wait3A_492 = arith.constant 0 : i32
    %dma_wait3A_493 = arith.constant 0 : i32
    %dma_wait3A_494 = tpu.memref_slice %arg3[%dma_wait3A_492, %dma_wait3A_493] : memref<50257x1024xf32, #tpu.memory_space<hbm>> -> memref<50257x1024xf32, #tpu.memory_space<hbm>>
    tpu.wait_indirect_dma semaphore(%arg9 : memref<!tpu.dma_semaphore, #tpu.memory_space<semaphore_mem>>) src(%dma_wait3A_494 : memref<50257x1024xf32, #tpu.memory_space<hbm>>) dst(%dma_wait3A_489 : memref<32x1024xf32, #tpu.memory_space<vmem>>)
    %add3A_495 = arith.constant 480 : i32
    %add3A_496 = arith.addi %mul3A_34, %add3A_495 : i32
    %dma_start3A_497 = arith.constant 0 : i32
    %dma_start3A_498 = arith.constant 0 : i32
    %dma_start3A_499 = tpu.memref_slice %arg6[%dma_start3A_497, %dma_start3A_498] : memref<40x1024xf32, #tpu.memory_space<vmem>> -> memref<32x1024xf32, #tpu.memory_space<vmem>>
    %dma_start3A_500 = arith.constant 0 : i32
    %dma_start3A_501 = tpu.memref_slice %arg4[%add3A_496, %dma_start3A_500] : memref<16384x1024xf32, #tpu.memory_space<hbm>> -> memref<32x1024xf32, #tpu.memory_space<hbm>>
    %dma_start3A_502 = arith.constant 0 : i32
    %dma_start3A_503 = tpu.memref_slice %arg4[%add3A_496, %dma_start3A_502] : memref<16384x1024xf32, #tpu.memory_space<hbm>> -> memref<32x1024xf32, #tpu.memory_space<hbm>>
    %dma_start3A_504 = arith.constant 0 : i32
    %dma_start3A_505 = arith.constant 0 : i32
    %dma_start3A_506 = tpu.memref_slice %arg6[%dma_start3A_504, %dma_start3A_505] : memref<40x1024xf32, #tpu.memory_space<vmem>> -> memref<32x1024xf32, #tpu.memory_space<vmem>>
    tpu.enqueue_dma source(%dma_start3A_506 : memref<32x1024xf32, #tpu.memory_space<vmem>>) target(%dma_start3A_503 : memref<32x1024xf32, #tpu.memory_space<hbm>>) target_semaphore(%arg12 : memref<!tpu.dma_semaphore, #tpu.memory_space<semaphore_mem>>)
    %dma_wait3A_507 = arith.constant 0 : i32
    %dma_wait3A_508 = arith.constant 0 : i32
    %dma_wait3A_509 = tpu.memref_slice %arg8[%dma_wait3A_507, %dma_wait3A_508] : memref<40x1024xf32, #tpu.memory_space<vmem>> -> memref<40x1024xf32, #tpu.memory_space<vmem>>
    %dma_wait3A_510 = arith.constant 0 : i32
    %dma_wait3A_511 = tpu.memref_slice %arg4[%add3A_466, %dma_wait3A_510] : memref<16384x1024xf32, #tpu.memory_space<hbm>> -> memref<40x1024xf32, #tpu.memory_space<hbm>>
    %dma_wait3A_512 = arith.constant 0 : i32
    %dma_wait3A_513 = tpu.memref_slice %arg4[%add3A_466, %dma_wait3A_512] : memref<16384x1024xf32, #tpu.memory_space<hbm>> -> memref<40x1024xf32, #tpu.memory_space<hbm>>
    %dma_wait3A_514 = arith.constant 0 : i32
    %dma_wait3A_515 = arith.constant 0 : i32
    %dma_wait3A_516 = tpu.memref_slice %arg8[%dma_wait3A_514, %dma_wait3A_515] : memref<40x1024xf32, #tpu.memory_space<vmem>> -> memref<40x1024xf32, #tpu.memory_space<vmem>>
    tpu.wait_dma2 semaphore(%arg14 : memref<!tpu.dma_semaphore, #tpu.memory_space<semaphore_mem>>) src(%dma_wait3A_516 : memref<40x1024xf32, #tpu.memory_space<vmem>>) dst(%dma_wait3A_513 : memref<40x1024xf32, #tpu.memory_space<hbm>>)
    %dma_wait3A_517 = arith.constant 0 : i32
    %dma_wait3A_518 = arith.constant 0 : i32
    %dma_wait3A_519 = tpu.memref_slice %arg6[%dma_wait3A_517, %dma_wait3A_518] : memref<40x1024xf32, #tpu.memory_space<vmem>> -> memref<32x1024xf32, #tpu.memory_space<vmem>>
    %dma_wait3A_520 = arith.constant 0 : i32
    %dma_wait3A_521 = tpu.memref_slice %arg4[%add3A_496, %dma_wait3A_520] : memref<16384x1024xf32, #tpu.memory_space<hbm>> -> memref<32x1024xf32, #tpu.memory_space<hbm>>
    %dma_wait3A_522 = arith.constant 0 : i32
    %dma_wait3A_523 = tpu.memref_slice %arg4[%add3A_496, %dma_wait3A_522] : memref<16384x1024xf32, #tpu.memory_space<hbm>> -> memref<32x1024xf32, #tpu.memory_space<hbm>>
    %dma_wait3A_524 = arith.constant 0 : i32
    %dma_wait3A_525 = arith.constant 0 : i32
    %dma_wait3A_526 = tpu.memref_slice %arg6[%dma_wait3A_524, %dma_wait3A_525] : memref<40x1024xf32, #tpu.memory_space<vmem>> -> memref<32x1024xf32, #tpu.memory_space<vmem>>
    tpu.wait_dma2 semaphore(%arg12 : memref<!tpu.dma_semaphore, #tpu.memory_space<semaphore_mem>>) src(%dma_wait3A_526 : memref<32x1024xf32, #tpu.memory_space<vmem>>) dst(%dma_wait3A_523 : memref<32x1024xf32, #tpu.memory_space<hbm>>)
    return
  }
}

</mosaic_0001>

<sc_bundles>
// kernel: kernel.3.cloned.1.call-start
scs
__scs_entry_jumppad:
0x0: {  	(pc) =	sbr.rel $0x88, $3  }
0x1: {  	(tag) =	ssettag $0x0;
	lr =	simm.s32 $0x1  }
0x2: {  	[smem:$0x3F9F] =	sst lr;
	_ =	strace $0xD0000000  }
0x3: {  	_ = 	snop  }
0x4: {  	_ = 	snop  }
0x5: {  	_ = 	snop  }
0x6: {  	_ = 	snop  }
0x7: {  	_ = 	snop  }
__scs_overlays_trampoline_lowered:
0x8: {  	[smem:$0x3FAE] =	sst s0  }
0x9: {  	[smem:$0x3FAF] =	sst s1  }
0xa: {  	[smem:$0x3FB0] =	sst s2  }
0xb: {  	[smem:$0x3FB1] =	sst s3  }
0xc: {  	[smem:$0x3FB2] =	sst s4  }
0xd: {  	[smem:$0x3FB3] =	sst s5  }
0xe: {  	[smem:$0x3FB4] =	sst s6  }
0xf: {  	[smem:$0x3FB5] =	sst s7  }
0x10: {  	[smem:$0x3FB6] =	sst s8  }
0x11: {  	[smem:$0x3FB7] =	sst s9;
	s0 =	simm.s32 @!p0 $0x0  }
0x12: {  	s1 =	sld [smem:$0x3F9D];
	s0 =	simm.s32 @p0 $0x1  }
0x13: {  	[smem:$0x3FB8] =	sst s0;
	s0 =	simm.s32 @!p1 $0x0  }
0x14: {  	s2 =	sld [smem:$0x3F9C];
	s0 =	simm.s32 @p1 $0x1  }
0x15: {  	[smem:$0x3FB9] =	sst s0;
	s0 =	simm.s32 @!p2 $0x0  }
0x16: {  	s3 =	sld [smem:$0x3FDB];
	s0 =	simm.s32 @p2 $0x1  }
0x17: {  	s4 =	simm.s32 $0x1BF5;
	[smem:$0x3FBB] =	sst s0  }
0x18: {  	s0 =	sld [smem:$0x3F9E];
	_ =	swait.ge [sflag:s4], $0x0  }
0x19: {  	s7 =	sld [smem:$0x3F9F]  }
0x1a: {  	s8 =	sadd.s32 $0xFFFFE003, lr  }
0x1b: {  	s9 =	sadd.s32 $0xFFFFFEF7, lr;
	s5 =	simm.s32 $0xFFFFFFFF;
	p2 =	slt.u32 s8, $0xFFFFF086  }
0x1c: {  	p1 =	slt.u32 s9, $0xF7A;
	s5 =	simm.s32 @!p2 $0x0  }
0x1d: {  	s5 =	simm.s32 @p1 $0x1;
	p0 =	seq.s32 s7, s2  }
0x1e: {  	s7 =	smul.u32 @!p0 $0xF7A, s2;
	p2 =	seq.s32 @!p0 s5, $0x0  }
0x1f: {  	s9 =	smul.u32 $0xF7A, s1;
	s8 =	simm.s32 @!p0 $0x1BF5;
	p2 =	por !p2, p0  }
0x20: {  	[sflag:s8] =	ssyncset.s32 @!p0 $0xFFFFF086;
	s6 =	sadd.s32 @!p0 s3, s7;
	s7 =	simm.s32 @!p0 $0x108  }
0x21: {  	s3 =	sadd.s32 s3, s9;
	s6 =	sadd.s32 @!p0 $0x88, s6;
	s7 =	simm.s32 @p2 $0x1082  }
0x22: {  	[simem:s7], [sflag:s8] =	dma.local @!p0 [hbm:s6], $0xF7A  }
0x23: {  	s9 =	sor.u32 $0xD0000000, s2;
	s6 =	simm.s32 $0x108;
	_ =	swait.ge @!p0 [sflag:s8], $0x0  }
0x24: {  	s3 =	sadd.s32 $0x88, s3;
	s6 =	simm.s32 @!p1 $0x1082;
	[sflag:s4] =	ssyncset.s32 $0xFFFFF086  }
0x25: {  	[simem:s6], [sflag:s4] =	dma.local [hbm:s3], $0xF7A  }
0x26: {  	[smem:$0x3F9F] =	sst s1;
	(tag) =	ssettag s2;
	_ =	strace s9  }
0x27: {  	s1 =	sld [smem:$0x3FAF]  }
0x28: {  	s2 =	sld [smem:$0x3FB0]  }
0x29: {  	s4 =	sld [smem:$0x3FB2]  }
0x2a: {  	p0 =	seq.s32 s5, $0x0;
	s5 =	sld [smem:$0x3FB3]  }
0x2b: {  	s6 =	sld [smem:$0x3FB4]  }
0x2c: {  	s7 =	sld [smem:$0x3FB5]  }
0x2d: {  	s3 =	simm.s32 $0x108;
	s8 =	sld [smem:$0x3FB6]  }
0x2e: {  	s3 =	simm.s32 @!p0 $0x1082;
	s9 =	sld [smem:$0x3FB7]  }
0x2f: {  	lr =	sadd.s32 s0, s3;
	s0 =	sld [smem:$0x3FAE]  }
0x30: {  	s3 =	sld [smem:$0x3FB1]  }
0x31: {  	[smem:$0x3FBA] =	sst s10  }
0x32: {  	s10 =	sld [smem:$0x3FB8];
	_ =	sdelay $0x3  }
0x33: {  	p0 =	seq.s32 s10, $0x1;
	s10 =	sld [smem:$0x3FBA];
	_ =	sdelay $0x3  }
0x34: {  	[smem:$0x3FBA] =	sst s10  }
0x35: {  	s10 =	sld [smem:$0x3FB9];
	_ =	sdelay $0x3  }
0x36: {  	p1 =	seq.s32 s10, $0x1;
	s10 =	sld [smem:$0x3FBA];
	_ =	sdelay $0x3  }
0x37: {  	[smem:$0x3FBA] =	sst s10  }
0x38: {  	s10 =	sld [smem:$0x3FBB]  }
0x39: {  	_ = 	snop;
	(pc) =	sbr.ind lr, $3  }
0x3a: {  	_ = 	snop  }
0x3b: {  	_ = 	snop  }
0x3c: {  	p2 =	seq.s32 s10, $0x1;
	s10 =	sld [smem:$0x3FBA]  }
0x3d: {  	_ =	shalt  }
0x3e: {  	_ =	shalt  }
0x3f: {  	_ =	shalt  }
0x40: {  	_ =	shalt  }
0x41: {  	_ =	shalt  }
0x42: {  	_ =	shalt  }
0x43: {  	_ =	shalt  }
0x44: {  	_ =	shalt  }
0x45: {  	_ =	shalt  }
0x46: {  	_ =	shalt  }
0x47: {  	_ =	shalt  }
0x48: {  	_ =	shalt  }
0x49: {  	_ =	shalt  }
0x4a: {  	_ =	shalt  }
0x4b: {  	_ =	shalt  }
0x4c: {  	_ =	shalt  }
0x4d: {  	_ =	shalt  }
0x4e: {  	_ =	shalt  }
0x4f: {  	_ =	shalt  }
0x50: {  	_ =	shalt  }
0x51: {  	_ =	shalt  }
0x52: {  	_ =	shalt  }
0x53: {  	_ =	shalt  }
0x54: {  	_ =	shalt  }
0x55: {  	_ =	shalt  }
0x56: {  	_ =	shalt  }
0x57: {  	_ =	shalt  }
0x58: {  	_ =	shalt  }
0x59: {  	_ =	shalt  }
0x5a: {  	_ =	shalt  }
0x5b: {  	_ =	shalt  }
0x5c: {  	_ =	shalt  }
0x5d: {  	_ =	shalt  }
0x5e: {  	_ =	shalt  }
0x5f: {  	_ =	shalt  }
0x60: {  	_ =	shalt  }
0x61: {  	_ =	shalt  }
0x62: {  	_ =	shalt  }
0x63: {  	_ =	shalt  }
0x64: {  	_ =	shalt  }
0x65: {  	_ =	shalt  }
0x66: {  	_ =	shalt  }
0x67: {  	_ =	shalt  }
0x68: {  	_ =	shalt  }
0x69: {  	_ =	shalt  }
0x6a: {  	_ =	shalt  }
0x6b: {  	_ =	shalt  }
0x6c: {  	_ =	shalt  }
0x6d: {  	_ =	shalt  }
0x6e: {  	_ =	shalt  }
0x6f: {  	_ =	shalt  }
0x70: {  	_ =	shalt  }
0x71: {  	_ =	shalt  }
0x72: {  	_ =	shalt  }
0x73: {  	_ =	shalt  }
0x74: {  	_ =	shalt  }
0x75: {  	_ =	shalt  }
0x76: {  	_ =	shalt  }
0x77: {  	_ =	shalt  }
0x78: {  	_ =	shalt  }
0x79: {  	_ =	shalt  }
0x7a: {  	_ =	shalt  }
0x7b: {  	_ =	shalt  }
0x7c: {  	_ =	shalt  }
0x7d: {  	_ =	shalt  }
0x7e: {  	_ =	shalt  }
0x7f: {  	_ =	shalt  }
0x80: {  	_ =	shalt  }
0x81: {  	_ =	shalt  }
0x82: {  	_ =	shalt  }
0x83: {  	_ =	shalt  }
0x84: {  	_ =	shalt  }
0x85: {  	_ =	shalt  }
0x86: {  	_ =	shalt  }
0x87: {  	_ =	shalt  }
.Lfunc_end0:
.L_simem_size_0:
called_computation_lowered:
.L_overlay_start_0:
0x88: {  	s2 =	sld [smem:$0x3FD9]  }
0x89: {  	s3 =	sld [smem:$0x3FFE];
	_ =	sdelay $0x1  }
0x8a: {  	s1 =	srdreg.scid  }
0x8b: {  	s0 =	sand.u32 $0x1, s1  }
0x8c: {  	s18 =	sshll.u32 s0, $0xA;
	s2 =	sadd.s32 s3, s2  }
0x8d: {  	s2 =	sadd.s32 s2, s18  }
0x8e: {  	[smem:$0x3FC6] =	sst s2  }
0x8f: {  	_ = 	snop  }
0x90: {  	s2 =	sld [smem:$0x3FC9]  }
0x91: {  	s19 =	sld [smem:$0x3FC8]  }
0x92: {  	s4 =	sld [smem:$0x3FD0];
	(tm) =	ssettm $0x1  }
0x93: {  	s5 =	sld [smem:$0x3FFB];
	_ =	sdelay $0x3  }
0x94: {  	_ =	strace s5  }
0x95: {  	s5 =	sld [smem:$0x3FFC];
	_ =	sdelay $0x3  }
0x96: {  	_ =	strace s5  }
0x97: {  	s5 =	sld [smem:$0x3FFD];
	_ =	sdelay $0x3  }
0x98: {  	_ =	strace s5  }
0x99: {  	_ =	strace $0x8FFFFFFF  }
0x9a: {  	s20 =	sld [smem:$0x3FDB];
	_ =	sdelay $0x1  }
0x9b: {  	s6 =	simm.s32 $_scs_section_size  }
0x9c: {  	s7 =	simm.s32 $_size__tile_overlayer_lowered;
	s8 =	simm.s32 $_tile_overlayer_lowered  }
0x9d: {  	s23 =	simm.s32 $0x1BFF;
	s22 =	sshll.u32 s8, $0x1;
	s5 =	sadd.s32 s6, s20  }
0x9e: {  	s9 =	simm.s32 $0x0;
	s21 =	sshll.u32 s7, $0x1;
	s7 =	sadd.s32 s22, s5  }
0x9f: {  	[timem:s9], [sflag:s23] =	dma.local [hbm:s7], s21  }
0xa0: {  	_ =	swait.ge [sflag:s23], s21  }
0xa1: {  	s6 =	ssub.s32 $0x0, s21;
	[sflag:s23] =	ssyncset.done $0x0  }
0xa2: {  	[sflag:s23] =	ssyncadd.s32 s6;
	_ =	sdelay $0x1  }
0xa3: {  	s24 =	simm.s32 $0x1B8B  }
0xa4: {  	_ =	swait.ge [sflag:s24], $0x1  }
0xa5: {  	[sflag:s24] =	ssyncset.done $0x0  }
0xa6: {  	s25 =	simm.s32 $0x1B8E;
	[sflag:s24] =	ssyncadd.s32 $0xFFFFFFFF  }
0xa7: {  	s26 =	simm.s32 $execute0_lowered;
	[smem:$0x3FD2] =	sst s25  }
0xa8: {  	s6 =	sshll.u32 s26, $0x1;
	_ =	strace $0x80000046;
	[dreg:$0x1] =	wrdreg $0xFFFFFFFF  }
0xa9: {  	s28 =	simm.s32 $_size_execute0_lowered;
	s5 =	sadd.s32 s5, s6;
	[dreg:$0x0] =	wrdreg $0x0  }
0xaa: {  	s6 =	sshll.u32 s28, $0x1;
	[dreg:$0x2] =	wrdreg s5  }
0xab: {  	[dreg:$0x3] =	wrdreg s6  }
0xac: {  	[dreg:$0x4] =	wrdreg $0xC0  }
0xad: {  	_ =	task [dreg:s9], $0x5FFFF  }
0xae: {  	[dreg:$0x1] =	wrdreg $0xFFFFFFFF  }
0xaf: {  	[dreg:$0x0] =	wrdreg $0x60  }
0xb0: {  	[dreg:$0x2] =	wrdreg s2  }
0xb1: {  	[dreg:$0x3] =	wrdreg s19  }
0xb2: {  	[dreg:$0x4] =	wrdreg s4  }
0xb3: {  	[dreg:$0x5] =	wrdreg $0x9  }
0xb4: {  	_ =	task.clear_ibuf [dreg:s9], $0x6FFFF;
	_ =	strace $0x90000046  }
0xb5: {  	s29 =	simm.s32 $0x9;
	_ =	strace $0x80000048  }
0xb6: {  	_ =	swait.ge [sflag:s29], $0x1  }
0xb7: {  	[sflag:s29] =	ssyncadd.s32 $0xFFFFFFFF  }
0xb8: {  	_ =	strace $0x90000048  }
0xb9: {  	_ =	sfence  }
0xba: {  	s30 =	sld [smem:$0x0];
	_ =	sdelay $0x2  }
0xbb: {  	s31 =	sshll.u32 s1, $0xD;
	s1 =	sshrl.u32 s1, $0x2  }
0xbc: {  	s3 =	sand.u32 $0x4000, s31;
	s1 =	sadd.s32 s1, s30  }
0xbd: {  	s0 =	sor.u32 s3, s0;
	s1 =	sshll.u32 s1, $0x11  }
0xbe: {  	s0 =	sor.u32 s1, s0  }
0xbf: {  	s0 =	sadd.s32 $0x8F2B, s0  }
0xc0: {  	[sflag:s0] =	ssyncadd.remote.s32 $0x1  }
0xc1: {  	_ =	sfence.sel $0xFFFF  }
0xc2: {  	[dreg:$0x0] =	wrdreg $0xFFFFFFFF;
	(pc) =	sbr.abs _section_cstart, $3  }
0xc3: {  	[dreg:$0x1] =	wrdreg $0xFFFFFFFF  }
0xc4: {  	_ =	task.clear_ibuf [dreg:s9], $0x2FFFF;
	_ =	strace $0x9FFFFFFF  }
0xc5: {  	(tm) =	ssettm $0x7FFFFFFF  }
tec
execute0_lowered:
.L_overlay_start_1:
0x0: {  	(tag) =	ssettag $0x1  }
0x1: {  	s0 =	rddreg [dreg:$0x0]  }
0x2: {  	s2 =	rddreg [dreg:$0x1]  }
0x3: {  	s1 =	rddreg [dreg:$0x2]  }
0x4: {  	s3 =	srdreg.scid;
	s6 =	stileid.u32  }
0x5: {  	s31 =	simm.s32 $0x80;
	s4 =	sand.u32 $0x1, s3;
	s5 =	sshll.u32 s6, $0x1  }
0x6: {  	s3 =	simm.s32 $0x0;
	s6 =	sshll.u32 s6, $0x2;
	s5 =	sor.u32 s4, s5  }
0x7: {  	[smem:$0x7FF] =	sst s3;
	s6 =	sand.u32 $0x30, s6;
	s7 =	sshll.u32 s5, $0x8  }
0x8: {  	s0 =	sadd.s32 s0, s6;
	s5 =	sshll.u32 s5, $0x10;
	_ =	strace $0x80000047  }
0x9: {  	[dreg:$0x11] =	wrdreg s31;
	s7 =	sand.u32 $0x700, s7;
	s14 =	sadd.s32 s1, s5  }
0xa: {  	s0 =	sadd.s32 s7, s0;
	[dreg:$0x12] =	wrdreg s14  }
0xb: {  	s10 =	simm.s32 $0x1;
	s15 =	sadd.s32 $0x1400, s14;
	[dreg:$0x4] =	wrdreg s0  }
0xc: {  	s30 =	simm.s32 $0x4;
	s16 =	sadd.s32 $0x2800, s14;
	[dreg:$0x5] =	wrdreg s15  }
0xd: {  	s29 =	simm.s32 $0x200;
	s17 =	sadd.s32 $0x3C00, s14;
	[dreg:$0x6] =	wrdreg s16  }
0xe: {  	s22 =	ssub.s32 $0x2, s4;
	s18 =	sadd.s32 $0x5000, s14;
	[dreg:$0x7] =	wrdreg s17  }
0xf: {  	s4 =	sshrl.u32 s22, $0x1;
	s19 =	sadd.s32 $0x6400, s14;
	[dreg:$0x8] =	wrdreg s18  }
0x10: {  	s6 =	sadd.s32 $0x200, s2;
	s20 =	sadd.s32 $0x7800, s14;
	[dreg:$0x9] =	wrdreg s19  }
0x11: {  	s1 =	ssub.s32 s22, s4;
	s21 =	sadd.s32 $0x8C00, s14;
	[dreg:$0xa] =	wrdreg s20  }
0x12: {  	s5 =	sadd.s32 $0x100, s2;
	s23 =	sadd.s32 $0xA000, s14;
	[dreg:$0xb] =	wrdreg s21  }
0x13: {  	s4 =	simm.s32 $0x6;
	s24 =	sadd.s32 $0xB400, s14;
	[dreg:$0xc] =	wrdreg s23  }
0x14: {  	s25 =	sadd.s32 $0xC800, s14;
	s26 =	sadd.s32 $0xDC00, s14;
	[dreg:$0xd] =	wrdreg s24  }
0x15: {  	v2 =	vlaneseq.u32;
	s28 =	sadd.s32 $0xF000, s14;
	s7 =	sadd.s32 $0x300, s2;
	[dreg:$0xe] =	wrdreg s25  }
0x16: {  	vm0 =	vmmov $0xffff;
	v1 =	vshrl.u32 v2, $0x3;
	s8 =	smax.u32 s1, $0x1;
	s14 =	simm.s32 $0x2;
	[dreg:$0xf] =	wrdreg s26  }
0x17: {  	v0 =	vand.u32 $0x7, v2;
	v2 =	vor.u32 $0x8, v2;
	v1 =	vmul.u32 $0x8, v1;
	s1 =	simm.s32 $0x5;
	[dreg:$0x10] =	wrdreg s28;
	s0 =	simm.s32 $0x3  }
.LBB2_1:
0x18: {  	s28 =	rddreg [dreg:$0x4]  }
0x19: {  	s11 =	rddreg [dreg:$0x11];
	s20 =	simm.s32 $0x7  }
0x1a: {  	[tilespmem:s3], [sflag:$0x7] =	stream.strided.gather [hbm4b:s28+s11], $0x200, s29, s11, $0x38;
	[tilespmem:$0x1E200] =	vst v63  }
0x1b: {  	_ =	swait.ge [sflag:s20], $0x200  }
0x1c: {  	[sflag:s20] =	ssyncset.done $0x0  }
0x1d: {  	[sflag:s20] =	ssyncadd.s32 $0xFFFFFE00  }
0x1e: {  	v3 =	vld [tilespmem:$0x0];
	_ =	sdelay $0x4  }
0x1f: {  	v4 =	vshll.u32 v3, $0x3  }
0x20: {  	v3 =	vand.u32 $0x7, v3;
	v4 =	vand.u32 $0xFFFFFFC0, v4  }
0x21: {  	v3 =	vor.u32 v3, v4  }
0x22: {  	v4 =	vperm.xlane v3, v0;
	_ =	sdelay $0x1  }
0x23: {  	v4 =	vadd.s32 v1, v4;
	_ =	sdelay $0x4  }
0x24: {  	[tilespmem:s29], [sflag:$0x1] =	stream.indirect_vreg.gather [hbm4b:s2+s3], $0x80, v4, vm0, $0xb8;
	[tilespmem:$0x1E200] =	vst v63  }
0x25: {  	s21 =	simm.s32 $0xA00;
	v3 =	vperm.xlane v3, v2  }
0x26: {  	[tilespmem:s21], [sflag:$0x1] =	stream.indirect_vreg.gather [hbm4b:s5+s3], $0x80, v4, vm0, $0xb8;
	[tilespmem:$0x1E200] =	vst v63  }
0x27: {  	s22 =	simm.s32 $0x1200;
	v3 =	vadd.s32 v1, v3  }
0x28: {  	[tilespmem:s22], [sflag:$0x1] =	stream.indirect_vreg.gather [hbm4b:s6+s3], $0x80, v4, vm0, $0xb8;
	[tilespmem:$0x1E200] =	vst v63  }
0x29: {  	s23 =	simm.s32 $0x1A00  }
0x2a: {  	[tilespmem:s23], [sflag:$0x1] =	stream.indirect_vreg.gather [hbm4b:s7+s3], $0x80, v4, vm0, $0xb8;
	[tilespmem:$0x1E200] =	vst v63  }
0x2b: {  	s24 =	simm.s32 $0x2200  }
0x2c: {  	[tilespmem:s24], [sflag:$0x1] =	stream.indirect_vreg.gather [hbm4b:s2+s3], $0x80, v3, vm0, $0xb8;
	[tilespmem:$0x1E200] =	vst v63  }
0x2d: {  	s28 =	simm.s32 $0x2A00  }
0x2e: {  	[tilespmem:s28], [sflag:$0x1] =	stream.indirect_vreg.gather [hbm4b:s5+s3], $0x80, v3, vm0, $0xb8;
	[tilespmem:$0x1E200] =	vst v63  }
0x2f: {  	s9 =	simm.s32 $0x3200  }
0x30: {  	[tilespmem:s9], [sflag:$0x1] =	stream.indirect_vreg.gather [hbm4b:s6+s3], $0x80, v3, vm0, $0xb8;
	[tilespmem:$0x1E200] =	vst v63  }
0x31: {  	s12 =	simm.s32 $0x3A00  }
0x32: {  	[tilespmem:s12], [sflag:$0x1] =	stream.indirect_vreg.gather [hbm4b:s7+s3], $0x80, v3, vm0, $0xb8;
	[tilespmem:$0x1E200] =	vst v63  }
0x33: {  	v3 =	vld [tilespmem:$0x10];
	_ =	sdelay $0x4  }
0x34: {  	v27 =	vshll.u32 v3, $0x3  }
0x35: {  	v3 =	vand.u32 $0x7, v3;
	v4 =	vand.u32 $0xFFFFFFC0, v27  }
0x36: {  	v3 =	vor.u32 v3, v4  }
0x37: {  	v4 =	vperm.xlane v3, v0;
	_ =	sdelay $0x1  }
0x38: {  	v4 =	vadd.s32 v1, v4;
	_ =	sdelay $0x3  }
0x39: {  	s16 =	simm.s32 $0x4200  }
0x3a: {  	[tilespmem:s16], [sflag:$0x1] =	stream.indirect_vreg.gather [hbm4b:s2+s3], $0x80, v4, vm0, $0xb8;
	[tilespmem:$0x1E200] =	vst v63  }
0x3b: {  	s17 =	simm.s32 $0x4A00;
	v3 =	vperm.xlane v3, v2  }
0x3c: {  	[tilespmem:s17], [sflag:$0x1] =	stream.indirect_vreg.gather [hbm4b:s5+s3], $0x80, v4, vm0, $0xb8;
	[tilespmem:$0x1E200] =	vst v63  }
0x3d: {  	s18 =	simm.s32 $0x5200;
	v3 =	vadd.s32 v1, v3  }
0x3e: {  	[tilespmem:s18], [sflag:$0x1] =	stream.indirect_vreg.gather [hbm4b:s6+s3], $0x80, v4, vm0, $0xb8;
	[tilespmem:$0x1E200] =	vst v63  }
0x3f: {  	s19 =	simm.s32 $0x5A00  }
0x40: {  	[tilespmem:s19], [sflag:$0x1] =	stream.indirect_vreg.gather [hbm4b:s7+s3], $0x80, v4, vm0, $0xb8;
	[tilespmem:$0x1E200] =	vst v63  }
0x41: {  	s20 =	simm.s32 $0x6200  }
0x42: {  	[tilespmem:s20], [sflag:$0x1] =	stream.indirect_vreg.gather [hbm4b:s2+s3], $0x80, v3, vm0, $0xb8;
	[tilespmem:$0x1E200] =	vst v63  }
0x43: {  	s24 =	simm.s32 $0x6A00  }
0x44: {  	[tilespmem:s24], [sflag:$0x1] =	stream.indirect_vreg.gather [hbm4b:s5+s3], $0x80, v3, vm0, $0xb8;
	[tilespmem:$0x1E200] =	vst v63  }
0x45: {  	s28 =	simm.s32 $0x7200  }
0x46: {  	[tilespmem:s28], [sflag:$0x1] =	stream.indirect_vreg.gather [hbm4b:s6+s3], $0x80, v3, vm0, $0xb8;
	[tilespmem:$0x1E200] =	vst v63  }
0x47: {  	s9 =	simm.s32 $0x7A00  }
0x48: {  	[tilespmem:s9], [sflag:$0x1] =	stream.indirect_vreg.gather [hbm4b:s7+s3], $0x80, v3, vm0, $0xb8;
	[tilespmem:$0x1E200] =	vst v63  }
0x49: {  	v3 =	vld.msk [tilespmem:$0x20], $0xff;
	_ =	sdelay $0x4  }
0x4a: {  	v28 =	vshll.u32 v3, $0x3  }
0x4b: {  	v3 =	vand.u32 $0x7, v3;
	v4 =	vand.u32 $0xFFFFFFC0, v28  }
0x4c: {  	v3 =	vor.u32 v3, v4  }
0x4d: {  	v3 =	vperm.xlane v3, v0;
	_ =	sdelay $0x1  }
0x4e: {  	v3 =	vadd.s32 v1, v3;
	_ =	sdelay $0x3  }
0x4f: {  	s9 =	simm.s32 $0x8200  }
0x50: {  	[tilespmem:s9], [sflag:$0x1] =	stream.indirect_vreg.gather [hbm4b:s2+s3], $0x80, v3, vm0, $0xb8;
	[tilespmem:$0x1E200] =	vst v63  }
0x51: {  	s11 =	simm.s32 $0x8A00  }
0x52: {  	[tilespmem:s11], [sflag:$0x1] =	stream.indirect_vreg.gather [hbm4b:s5+s3], $0x80, v3, vm0, $0xb8;
	[tilespmem:$0x1E200] =	vst v63  }
0x53: {  	s12 =	simm.s32 $0x9200  }
0x54: {  	[tilespmem:s12], [sflag:$0x1] =	stream.indirect_vreg.gather [hbm4b:s6+s3], $0x80, v3, vm0, $0xb8;
	[tilespmem:$0x1E200] =	vst v63  }
0x55: {  	s28 =	simm.s32 $0x9A00  }
0x56: {  	[tilespmem:s28], [sflag:$0x1] =	stream.indirect_vreg.gather [hbm4b:s7+s3], $0x80, v3, vm0, $0xb8;
	[tilespmem:$0x1E200] =	vst v63  }
0x57: {  	v3 =	vld [tilespmem:$0x28];
	_ =	sdelay $0x4  }
0x58: {  	v29 =	vshll.u32 v3, $0x3  }
0x59: {  	v3 =	vand.u32 $0x7, v3;
	v4 =	vand.u32 $0xFFFFFFC0, v29  }
0x5a: {  	v3 =	vor.u32 v3, v4  }
0x5b: {  	v4 =	vperm.xlane v3, v0;
	_ =	sdelay $0x1  }
0x5c: {  	v4 =	vadd.s32 v1, v4;
	_ =	sdelay $0x3  }
0x5d: {  	s11 =	simm.s32 $0xA200  }
0x5e: {  	[tilespmem:s11], [sflag:$0x2] =	stream.indirect_vreg.gather [hbm4b:s2+s3], $0x80, v4, vm0, $0xb8;
	[tilespmem:$0x1E200] =	vst v63  }
0x5f: {  	s28 =	simm.s32 $0xAA00;
	v3 =	vperm.xlane v3, v2  }
0x60: {  	[tilespmem:s28], [sflag:$0x2] =	stream.indirect_vreg.gather [hbm4b:s5+s3], $0x80, v4, vm0, $0xb8;
	[tilespmem:$0x1E200] =	vst v63  }
0x61: {  	v3 =	vadd.s32 v1, v3;
	s11 =	simm.s32 $0xB200  }
0x62: {  	[tilespmem:s11], [sflag:$0x2] =	stream.indirect_vreg.gather [hbm4b:s6+s3], $0x80, v4, vm0, $0xb8;
	[tilespmem:$0x1E200] =	vst v63  }
0x63: {  	s28 =	simm.s32 $0xBA00  }
0x64: {  	[tilespmem:s28], [sflag:$0x2] =	stream.indirect_vreg.gather [hbm4b:s7+s3], $0x80, v4, vm0, $0xb8;
	[tilespmem:$0x1E200] =	vst v63  }
0x65: {  	s11 =	simm.s32 $0xC200  }
0x66: {  	[tilespmem:s11], [sflag:$0x2] =	stream.indirect_vreg.gather [hbm4b:s2+s3], $0x80, v3, vm0, $0xb8;
	[tilespmem:$0x1E200] =	vst v63  }
0x67: {  	s28 =	simm.s32 $0xCA00  }
0x68: {  	[tilespmem:s28], [sflag:$0x2] =	stream.indirect_vreg.gather [hbm4b:s5+s3], $0x80, v3, vm0, $0xb8;
	[tilespmem:$0x1E200] =	vst v63  }
0x69: {  	s11 =	simm.s32 $0xD200  }
0x6a: {  	[tilespmem:s11], [sflag:$0x2] =	stream.indirect_vreg.gather [hbm4b:s6+s3], $0x80, v3, vm0, $0xb8;
	[tilespmem:$0x1E200] =	vst v63  }
0x6b: {  	s28 =	simm.s32 $0xDA00  }
0x6c: {  	[tilespmem:s28], [sflag:$0x2] =	stream.indirect_vreg.gather [hbm4b:s7+s3], $0x80, v3, vm0, $0xb8;
	[tilespmem:$0x1E200] =	vst v63  }
0x6d: {  	v3 =	vld [tilespmem:$0x38];
	_ =	sdelay $0x4  }
0x6e: {  	v30 =	vshll.u32 v3, $0x3  }
0x6f: {  	v3 =	vand.u32 $0x7, v3;
	v4 =	vand.u32 $0xFFFFFFC0, v30  }
0x70: {  	v3 =	vor.u32 v3, v4  }
0x71: {  	v4 =	vperm.xlane v3, v0;
	_ =	sdelay $0x1  }
0x72: {  	v4 =	vadd.s32 v1, v4;
	_ =	sdelay $0x3  }
0x73: {  	s11 =	simm.s32 $0xE200  }
0x74: {  	[tilespmem:s11], [sflag:$0x2] =	stream.indirect_vreg.gather [hbm4b:s2+s3], $0x80, v4, vm0, $0xb8;
	[tilespmem:$0x1E200] =	vst v63  }
0x75: {  	s28 =	simm.s32 $0xEA00;
	v3 =	vperm.xlane v3, v2  }
0x76: {  	[tilespmem:s28], [sflag:$0x2] =	stream.indirect_vreg.gather [hbm4b:s5+s3], $0x80, v4, vm0, $0xb8;
	[tilespmem:$0x1E200] =	vst v63  }
0x77: {  	v3 =	vadd.s32 v1, v3;
	s11 =	simm.s32 $0xF200  }
0x78: {  	[tilespmem:s11], [sflag:$0x2] =	stream.indirect_vreg.gather [hbm4b:s6+s3], $0x80, v4, vm0, $0xb8;
	[tilespmem:$0x1E200] =	vst v63  }
0x79: {  	s28 =	simm.s32 $0xFA00  }
0x7a: {  	[tilespmem:s28], [sflag:$0x2] =	stream.indirect_vreg.gather [hbm4b:s7+s3], $0x80, v4, vm0, $0xb8;
	[tilespmem:$0x1E200] =	vst v63  }
0x7b: {  	s11 =	simm.s32 $0x10200  }
0x7c: {  	[tilespmem:s11], [sflag:$0x2] =	stream.indirect_vreg.gather [hbm4b:s2+s3], $0x80, v3, vm0, $0xb8;
	[tilespmem:$0x1E200] =	vst v63  }
0x7d: {  	s28 =	simm.s32 $0x10A00  }
0x7e: {  	[tilespmem:s28], [sflag:$0x2] =	stream.indirect_vreg.gather [hbm4b:s5+s3], $0x80, v3, vm0, $0xb8;
	[tilespmem:$0x1E200] =	vst v63  }
0x7f: {  	s11 =	simm.s32 $0x11200  }
0x80: {  	[tilespmem:s11], [sflag:$0x2] =	stream.indirect_vreg.gather [hbm4b:s6+s3], $0x80, v3, vm0, $0xb8;
	[tilespmem:$0x1E200] =	vst v63  }
0x81: {  	s28 =	simm.s32 $0x11A00  }
0x82: {  	[tilespmem:s28], [sflag:$0x2] =	stream.indirect_vreg.gather [hbm4b:s7+s3], $0x80, v3, vm0, $0xb8;
	[tilespmem:$0x1E200] =	vst v63  }
0x83: {  	v3 =	vld.msk [tilespmem:$0x48], $0xff;
	_ =	sdelay $0x4  }
0x84: {  	v31 =	vshll.u32 v3, $0x3  }
0x85: {  	v3 =	vand.u32 $0x7, v3;
	v4 =	vand.u32 $0xFFFFFFC0, v31  }
0x86: {  	v3 =	vor.u32 v3, v4  }
0x87: {  	v3 =	vperm.xlane v3, v0;
	_ =	sdelay $0x1  }
0x88: {  	v3 =	vadd.s32 v1, v3;
	_ =	sdelay $0x3  }
0x89: {  	s11 =	simm.s32 $0x12200  }
0x8a: {  	[tilespmem:s11], [sflag:$0x2] =	stream.indirect_vreg.gather [hbm4b:s2+s3], $0x80, v3, vm0, $0xb8;
	[tilespmem:$0x1E200] =	vst v63  }
0x8b: {  	s28 =	simm.s32 $0x12A00  }
0x8c: {  	[tilespmem:s28], [sflag:$0x2] =	stream.indirect_vreg.gather [hbm4b:s5+s3], $0x80, v3, vm0, $0xb8;
	[tilespmem:$0x1E200] =	vst v63  }
0x8d: {  	s11 =	simm.s32 $0x13200  }
0x8e: {  	[tilespmem:s11], [sflag:$0x2] =	stream.indirect_vreg.gather [hbm4b:s6+s3], $0x80, v3, vm0, $0xb8;
	[tilespmem:$0x1E200] =	vst v63  }
0x8f: {  	s28 =	simm.s32 $0x13A00  }
0x90: {  	[tilespmem:s28], [sflag:$0x2] =	stream.indirect_vreg.gather [hbm4b:s7+s3], $0x80, v3, vm0, $0xb8;
	[tilespmem:$0x1E200] =	vst v63  }
0x91: {  	_ =	swait.ge [sflag:s10], $0xA000  }
0x92: {  	[sflag:s10] =	ssyncset.done $0x0  }
0x93: {  	s9 =	rddreg [dreg:$0x12];
	[sflag:s10] =	ssyncadd.s32 $0xFFFF6000  }
0x94: {  	[hbm4b:s9+s3] =	stream.linear.scatter [tilespmem:s29], [sflag:$0x4], $0xA000, $0x38;
	[tilespmem:$0x1E200] =	vst v63  }
0x95: {  	v3 =	vld [tilespmem:$0x50];
	_ =	sdelay $0x4  }
0x96: {  	v32 =	vshll.u32 v3, $0x3  }
0x97: {  	v3 =	vand.u32 $0x7, v3;
	v4 =	vand.u32 $0xFFFFFFC0, v32  }
0x98: {  	v3 =	vor.u32 v3, v4  }
0x99: {  	v4 =	vperm.xlane v3, v0;
	_ =	sdelay $0x1  }
0x9a: {  	v4 =	vadd.s32 v1, v4;
	_ =	sdelay $0x3  }
0x9b: {  	s28 =	simm.s32 $0x14200  }
0x9c: {  	[tilespmem:s28], [sflag:$0x3] =	stream.indirect_vreg.gather [hbm4b:s2+s3], $0x80, v4, vm0, $0xb8;
	[tilespmem:$0x1E200] =	vst v63  }
0x9d: {  	s9 =	simm.s32 $0x14A00;
	v3 =	vperm.xlane v3, v2  }
0x9e: {  	[tilespmem:s9], [sflag:$0x3] =	stream.indirect_vreg.gather [hbm4b:s5+s3], $0x80, v4, vm0, $0xb8;
	[tilespmem:$0x1E200] =	vst v63  }
0x9f: {  	v3 =	vadd.s32 v1, v3;
	s9 =	simm.s32 $0x15200  }
0xa0: {  	[tilespmem:s9], [sflag:$0x3] =	stream.indirect_vreg.gather [hbm4b:s6+s3], $0x80, v4, vm0, $0xb8;
	[tilespmem:$0x1E200] =	vst v63  }
0xa1: {  	s9 =	simm.s32 $0x15A00  }
0xa2: {  	[tilespmem:s9], [sflag:$0x3] =	stream.indirect_vreg.gather [hbm4b:s7+s3], $0x80, v4, vm0, $0xb8;
	[tilespmem:$0x1E200] =	vst v63  }
0xa3: {  	s9 =	simm.s32 $0x16200  }
0xa4: {  	[tilespmem:s9], [sflag:$0x3] =	stream.indirect_vreg.gather [hbm4b:s2+s3], $0x80, v3, vm0, $0xb8;
	[tilespmem:$0x1E200] =	vst v63  }
0xa5: {  	s9 =	simm.s32 $0x16A00  }
0xa6: {  	[tilespmem:s9], [sflag:$0x3] =	stream.indirect_vreg.gather [hbm4b:s5+s3], $0x80, v3, vm0, $0xb8;
	[tilespmem:$0x1E200] =	vst v63  }
0xa7: {  	s9 =	simm.s32 $0x17200  }
0xa8: {  	[tilespmem:s9], [sflag:$0x3] =	stream.indirect_vreg.gather [hbm4b:s6+s3], $0x80, v3, vm0, $0xb8;
	[tilespmem:$0x1E200] =	vst v63  }
0xa9: {  	s9 =	simm.s32 $0x17A00  }
0xaa: {  	[tilespmem:s9], [sflag:$0x3] =	stream.indirect_vreg.gather [hbm4b:s7+s3], $0x80, v3, vm0, $0xb8;
	[tilespmem:$0x1E200] =	vst v63  }
0xab: {  	v3 =	vld [tilespmem:$0x60];
	_ =	sdelay $0x4  }
0xac: {  	v33 =	vshll.u32 v3, $0x3  }
0xad: {  	v3 =	vand.u32 $0x7, v3;
	v4 =	vand.u32 $0xFFFFFFC0, v33  }
0xae: {  	v3 =	vor.u32 v3, v4  }
0xaf: {  	v4 =	vperm.xlane v3, v0;
	_ =	sdelay $0x1  }
0xb0: {  	v4 =	vadd.s32 v1, v4;
	_ =	sdelay $0x3  }
0xb1: {  	s9 =	simm.s32 $0x18200  }
0xb2: {  	[tilespmem:s9], [sflag:$0x3] =	stream.indirect_vreg.gather [hbm4b:s2+s3], $0x80, v4, vm0, $0xb8;
	[tilespmem:$0x1E200] =	vst v63  }
0xb3: {  	v3 =	vperm.xlane v3, v2;
	s9 =	simm.s32 $0x18A00  }
0xb4: {  	[tilespmem:s9], [sflag:$0x3] =	stream.indirect_vreg.gather [hbm4b:s5+s3], $0x80, v4, vm0, $0xb8;
	[tilespmem:$0x1E200] =	vst v63  }
0xb5: {  	v3 =	vadd.s32 v1, v3;
	s9 =	simm.s32 $0x19200  }
0xb6: {  	[tilespmem:s9], [sflag:$0x3] =	stream.indirect_vreg.gather [hbm4b:s6+s3], $0x80, v4, vm0, $0xb8;
	[tilespmem:$0x1E200] =	vst v63  }
0xb7: {  	s9 =	simm.s32 $0x19A00  }
0xb8: {  	[tilespmem:s9], [sflag:$0x3] =	stream.indirect_vreg.gather [hbm4b:s7+s3], $0x80, v4, vm0, $0xb8;
	[tilespmem:$0x1E200] =	vst v63  }
0xb9: {  	s9 =	simm.s32 $0x1A200  }
0xba: {  	[tilespmem:s9], [sflag:$0x3] =	stream.indirect_vreg.gather [hbm4b:s2+s3], $0x80, v3, vm0, $0xb8;
	[tilespmem:$0x1E200] =	vst v63  }
0xbb: {  	s9 =	simm.s32 $0x1AA00  }
0xbc: {  	[tilespmem:s9], [sflag:$0x3] =	stream.indirect_vreg.gather [hbm4b:s5+s3], $0x80, v3, vm0, $0xb8;
	[tilespmem:$0x1E200] =	vst v63  }
0xbd: {  	s9 =	simm.s32 $0x1B200  }
0xbe: {  	[tilespmem:s9], [sflag:$0x3] =	stream.indirect_vreg.gather [hbm4b:s6+s3], $0x80, v3, vm0, $0xb8;
	[tilespmem:$0x1E200] =	vst v63  }
0xbf: {  	s9 =	simm.s32 $0x1BA00  }
0xc0: {  	[tilespmem:s9], [sflag:$0x3] =	stream.indirect_vreg.gather [hbm4b:s7+s3], $0x80, v3, vm0, $0xb8;
	[tilespmem:$0x1E200] =	vst v63  }
0xc1: {  	v3 =	vld.msk [tilespmem:$0x70], $0xff;
	_ =	sdelay $0x4  }
0xc2: {  	v34 =	vshll.u32 v3, $0x3  }
0xc3: {  	v3 =	vand.u32 $0x7, v3;
	v4 =	vand.u32 $0xFFFFFFC0, v34  }
0xc4: {  	v3 =	vor.u32 v3, v4  }
0xc5: {  	v3 =	vperm.xlane v3, v0;
	_ =	sdelay $0x1  }
0xc6: {  	v3 =	vadd.s32 v1, v3;
	_ =	sdelay $0x3  }
0xc7: {  	s9 =	simm.s32 $0x1C200  }
0xc8: {  	[tilespmem:s9], [sflag:$0x3] =	stream.indirect_vreg.gather [hbm4b:s2+s3], $0x80, v3, vm0, $0xb8;
	[tilespmem:$0x1E200] =	vst v63  }
0xc9: {  	s9 =	simm.s32 $0x1CA00  }
0xca: {  	[tilespmem:s9], [sflag:$0x3] =	stream.indirect_vreg.gather [hbm4b:s5+s3], $0x80, v3, vm0, $0xb8;
	[tilespmem:$0x1E200] =	vst v63  }
0xcb: {  	s9 =	simm.s32 $0x1D200  }
0xcc: {  	[tilespmem:s9], [sflag:$0x3] =	stream.indirect_vreg.gather [hbm4b:s6+s3], $0x80, v3, vm0, $0xb8;
	[tilespmem:$0x1E200] =	vst v63  }
0xcd: {  	s9 =	simm.s32 $0x1DA00  }
0xce: {  	[tilespmem:s9], [sflag:$0x3] =	stream.indirect_vreg.gather [hbm4b:s7+s3], $0x80, v3, vm0, $0xb8;
	[tilespmem:$0x1E200] =	vst v63  }
0xcf: {  	_ =	swait.ge [sflag:s14], $0xA000  }
0xd0: {  	[sflag:s14] =	ssyncset.done $0x0  }
0xd1: {  	s9 =	simm.s32 $0xA200;
	s11 =	rddreg [dreg:$0x5];
	[sflag:s14] =	ssyncadd.s32 $0xFFFF6000  }
0xd2: {  	[hbm4b:s11+s3] =	stream.linear.scatter [tilespmem:s9], [sflag:$0x5], $0xA000, $0x38;
	[tilespmem:$0x1E200] =	vst v63  }
0xd3: {  	_ =	swait.ge [sflag:s30], $0xA000  }
0xd4: {  	[sflag:s30] =	ssyncset.done $0x0  }
0xd5: {  	[sflag:s30] =	ssyncadd.s32 $0xFFFF6000  }
0xd6: {  	v3 =	vld [tilespmem:$0x78];
	_ =	sdelay $0x4  }
0xd7: {  	v35 =	vshll.u32 v3, $0x3  }
0xd8: {  	v3 =	vand.u32 $0x7, v3;
	v4 =	vand.u32 $0xFFFFFFC0, v35  }
0xd9: {  	v3 =	vor.u32 v3, v4  }
0xda: {  	v4 =	vperm.xlane v3, v0;
	_ =	sdelay $0x1  }
0xdb: {  	v4 =	vadd.s32 v1, v4;
	_ =	sdelay $0x4  }
0xdc: {  	[tilespmem:s29], [sflag:$0x1] =	stream.indirect_vreg.gather [hbm4b:s2+s3], $0x80, v4, vm0, $0xb8;
	[tilespmem:$0x1E200] =	vst v63  }
0xdd: {  	s25 =	simm.s32 $0xA00;
	v3 =	vperm.xlane v3, v2  }
0xde: {  	[tilespmem:s25], [sflag:$0x1] =	stream.indirect_vreg.gather [hbm4b:s5+s3], $0x80, v4, vm0, $0xb8;
	[tilespmem:$0x1E200] =	vst v63  }
0xdf: {  	s31 =	simm.s32 $0x1200;
	v3 =	vadd.s32 v1, v3  }
0xe0: {  	[tilespmem:s31], [sflag:$0x1] =	stream.indirect_vreg.gather [hbm4b:s6+s3], $0x80, v4, vm0, $0xb8;
	[tilespmem:$0x1E200] =	vst v63  }
0xe1: {  	s26 =	simm.s32 $0x1A00  }
0xe2: {  	[tilespmem:s26], [sflag:$0x1] =	stream.indirect_vreg.gather [hbm4b:s7+s3], $0x80, v4, vm0, $0xb8;
	[tilespmem:$0x1E200] =	vst v63  }
0xe3: {  	s31 =	simm.s32 $0x2200  }
0xe4: {  	[tilespmem:s31], [sflag:$0x1] =	stream.indirect_vreg.gather [hbm4b:s2+s3], $0x80, v3, vm0, $0xb8;
	[tilespmem:$0x1E200] =	vst v63  }
0xe5: {  	s13 =	simm.s32 $0x2A00  }
0xe6: {  	[tilespmem:s13], [sflag:$0x1] =	stream.indirect_vreg.gather [hbm4b:s5+s3], $0x80, v3, vm0, $0xb8;
	[tilespmem:$0x1E200] =	vst v63  }
0xe7: {  	s15 =	simm.s32 $0x3200  }
0xe8: {  	[tilespmem:s15], [sflag:$0x1] =	stream.indirect_vreg.gather [hbm4b:s6+s3], $0x80, v3, vm0, $0xb8;
	[tilespmem:$0x1E200] =	vst v63  }
0xe9: {  	s21 =	simm.s32 $0x3A00  }
0xea: {  	[tilespmem:s21], [sflag:$0x1] =	stream.indirect_vreg.gather [hbm4b:s7+s3], $0x80, v3, vm0, $0xb8;
	[tilespmem:$0x1E200] =	vst v63  }
0xeb: {  	v3 =	vld [tilespmem:$0x88];
	_ =	sdelay $0x4  }
0xec: {  	v36 =	vshll.u32 v3, $0x3  }
0xed: {  	v3 =	vand.u32 $0x7, v3;
	v4 =	vand.u32 $0xFFFFFFC0, v36  }
0xee: {  	v3 =	vor.u32 v3, v4  }
0xef: {  	v4 =	vperm.xlane v3, v0;
	_ =	sdelay $0x1  }
0xf0: {  	v4 =	vadd.s32 v1, v4;
	_ =	sdelay $0x3  }
0xf1: {  	s22 =	simm.s32 $0x4200  }
0xf2: {  	[tilespmem:s22], [sflag:$0x1] =	stream.indirect_vreg.gather [hbm4b:s2+s3], $0x80, v4, vm0, $0xb8;
	[tilespmem:$0x1E200] =	vst v63  }
0xf3: {  	s23 =	simm.s32 $0x4A00;
	v3 =	vperm.xlane v3, v2  }
0xf4: {  	[tilespmem:s23], [sflag:$0x1] =	stream.indirect_vreg.gather [hbm4b:s5+s3], $0x80, v4, vm0, $0xb8;
	[tilespmem:$0x1E200] =	vst v63  }
0xf5: {  	s16 =	simm.s32 $0x5200;
	v3 =	vadd.s32 v1, v3  }
0xf6: {  	[tilespmem:s16], [sflag:$0x1] =	stream.indirect_vreg.gather [hbm4b:s6+s3], $0x80, v4, vm0, $0xb8;
	[tilespmem:$0x1E200] =	vst v63  }
0xf7: {  	s17 =	simm.s32 $0x5A00  }
0xf8: {  	[tilespmem:s17], [sflag:$0x1] =	stream.indirect_vreg.gather [hbm4b:s7+s3], $0x80, v4, vm0, $0xb8;
	[tilespmem:$0x1E200] =	vst v63  }
0xf9: {  	s18 =	simm.s32 $0x6200  }
0xfa: {  	[tilespmem:s18], [sflag:$0x1] =	stream.indirect_vreg.gather [hbm4b:s2+s3], $0x80, v3, vm0, $0xb8;
	[tilespmem:$0x1E200] =	vst v63  }
0xfb: {  	s19 =	simm.s32 $0x6A00  }
0xfc: {  	[tilespmem:s19], [sflag:$0x1] =	stream.indirect_vreg.gather [hbm4b:s5+s3], $0x80, v3, vm0, $0xb8;
	[tilespmem:$0x1E200] =	vst v63  }
0xfd: {  	s20 =	simm.s32 $0x7200  }
0xfe: {  	[tilespmem:s20], [sflag:$0x1] =	stream.indirect_vreg.gather [hbm4b:s6+s3], $0x80, v3, vm0, $0xb8;
	[tilespmem:$0x1E200] =	vst v63  }
0xff: {  	s24 =	simm.s32 $0x7A00  }
0x100: {  	[tilespmem:s24], [sflag:$0x1] =	stream.indirect_vreg.gather [hbm4b:s7+s3], $0x80, v3, vm0, $0xb8;
	[tilespmem:$0x1E200] =	vst v63  }
0x101: {  	v3 =	vld.msk [tilespmem:$0x98], $0xff;
	_ =	sdelay $0x4  }
0x102: {  	v37 =	vshll.u32 v3, $0x3  }
0x103: {  	v3 =	vand.u32 $0x7, v3;
	v4 =	vand.u32 $0xFFFFFFC0, v37  }
0x104: {  	v3 =	vor.u32 v3, v4  }
0x105: {  	v3 =	vperm.xlane v3, v0;
	_ =	sdelay $0x1  }
0x106: {  	v3 =	vadd.s32 v1, v3;
	_ =	sdelay $0x3  }
0x107: {  	s17 =	simm.s32 $0x8200  }
0x108: {  	[tilespmem:s17], [sflag:$0x1] =	stream.indirect_vreg.gather [hbm4b:s2+s3], $0x80, v3, vm0, $0xb8;
	[tilespmem:$0x1E200] =	vst v63  }
0x109: {  	s18 =	simm.s32 $0x8A00  }
0x10a: {  	[tilespmem:s18], [sflag:$0x1] =	stream.indirect_vreg.gather [hbm4b:s5+s3], $0x80, v3, vm0, $0xb8;
	[tilespmem:$0x1E200] =	vst v63  }
0x10b: {  	s19 =	simm.s32 $0x9200  }
0x10c: {  	[tilespmem:s19], [sflag:$0x1] =	stream.indirect_vreg.gather [hbm4b:s6+s3], $0x80, v3, vm0, $0xb8;
	[tilespmem:$0x1E200] =	vst v63  }
0x10d: {  	s12 =	simm.s32 $0x9A00  }
0x10e: {  	[tilespmem:s12], [sflag:$0x1] =	stream.indirect_vreg.gather [hbm4b:s7+s3], $0x80, v3, vm0, $0xb8;
	[tilespmem:$0x1E200] =	vst v63  }
0x10f: {  	_ =	swait.ge [sflag:s0], $0xA000  }
0x110: {  	[sflag:s0] =	ssyncset.done $0x0  }
0x111: {  	s28 =	simm.s32 $0x14200;
	s20 =	rddreg [dreg:$0x6];
	[sflag:s0] =	ssyncadd.s32 $0xFFFF6000  }
0x112: {  	[hbm4b:s20+s3] =	stream.linear.scatter [tilespmem:s28], [sflag:$0x6], $0xA000, $0x38;
	[tilespmem:$0x1E200] =	vst v63  }
0x113: {  	_ =	swait.ge [sflag:s1], $0xA000  }
0x114: {  	[sflag:s1] =	ssyncset.done $0x0  }
0x115: {  	[sflag:s1] =	ssyncadd.s32 $0xFFFF6000  }
0x116: {  	v3 =	vld [tilespmem:$0xA0];
	_ =	sdelay $0x4  }
0x117: {  	v38 =	vshll.u32 v3, $0x3  }
0x118: {  	v3 =	vand.u32 $0x7, v3;
	v4 =	vand.u32 $0xFFFFFFC0, v38  }
0x119: {  	v3 =	vor.u32 v3, v4  }
0x11a: {  	v4 =	vperm.xlane v3, v0;
	_ =	sdelay $0x1  }
0x11b: {  	v4 =	vadd.s32 v1, v4;
	_ =	sdelay $0x4  }
0x11c: {  	[tilespmem:s9], [sflag:$0x2] =	stream.indirect_vreg.gather [hbm4b:s2+s3], $0x80, v4, vm0, $0xb8;
	[tilespmem:$0x1E200] =	vst v63  }
0x11d: {  	s25 =	simm.s32 $0xAA00;
	v3 =	vperm.xlane v3, v2  }
0x11e: {  	[tilespmem:s25], [sflag:$0x2] =	stream.indirect_vreg.gather [hbm4b:s5+s3], $0x80, v4, vm0, $0xb8;
	[tilespmem:$0x1E200] =	vst v63  }
0x11f: {  	s21 =	simm.s32 $0xB200;
	v3 =	vadd.s32 v1, v3  }
0x120: {  	[tilespmem:s21], [sflag:$0x2] =	stream.indirect_vreg.gather [hbm4b:s6+s3], $0x80, v4, vm0, $0xb8;
	[tilespmem:$0x1E200] =	vst v63  }
0x121: {  	s12 =	simm.s32 $0xBA00  }
0x122: {  	[tilespmem:s12], [sflag:$0x2] =	stream.indirect_vreg.gather [hbm4b:s7+s3], $0x80, v4, vm0, $0xb8;
	[tilespmem:$0x1E200] =	vst v63  }
0x123: {  	s22 =	simm.s32 $0xC200  }
0x124: {  	[tilespmem:s22], [sflag:$0x2] =	stream.indirect_vreg.gather [hbm4b:s2+s3], $0x80, v3, vm0, $0xb8;
	[tilespmem:$0x1E200] =	vst v63  }
0x125: {  	s15 =	simm.s32 $0xCA00  }
0x126: {  	[tilespmem:s15], [sflag:$0x2] =	stream.indirect_vreg.gather [hbm4b:s5+s3], $0x80, v3, vm0, $0xb8;
	[tilespmem:$0x1E200] =	vst v63  }
0x127: {  	s16 =	simm.s32 $0xD200  }
0x128: {  	[tilespmem:s16], [sflag:$0x2] =	stream.indirect_vreg.gather [hbm4b:s6+s3], $0x80, v3, vm0, $0xb8;
	[tilespmem:$0x1E200] =	vst v63  }
0x129: {  	s31 =	simm.s32 $0xDA00  }
0x12a: {  	[tilespmem:s31], [sflag:$0x2] =	stream.indirect_vreg.gather [hbm4b:s7+s3], $0x80, v3, vm0, $0xb8;
	[tilespmem:$0x1E200] =	vst v63  }
0x12b: {  	v3 =	vld [tilespmem:$0xB0];
	_ =	sdelay $0x4  }
0x12c: {  	v39 =	vshll.u32 v3, $0x3  }
0x12d: {  	v3 =	vand.u32 $0x7, v3;
	v4 =	vand.u32 $0xFFFFFFC0, v39  }
0x12e: {  	v3 =	vor.u32 v3, v4  }
0x12f: {  	v4 =	vperm.xlane v3, v0;
	_ =	sdelay $0x1  }
0x130: {  	v4 =	vadd.s32 v1, v4;
	_ =	sdelay $0x3  }
0x131: {  	s23 =	simm.s32 $0xE200  }
0x132: {  	[tilespmem:s23], [sflag:$0x2] =	stream.indirect_vreg.gather [hbm4b:s2+s3], $0x80, v4, vm0, $0xb8;
	[tilespmem:$0x1E200] =	vst v63  }
0x133: {  	s28 =	simm.s32 $0xEA00;
	v3 =	vperm.xlane v3, v2  }
0x134: {  	[tilespmem:s28], [sflag:$0x2] =	stream.indirect_vreg.gather [hbm4b:s5+s3], $0x80, v4, vm0, $0xb8;
	[tilespmem:$0x1E200] =	vst v63  }
0x135: {  	s17 =	simm.s32 $0xF200;
	v3 =	vadd.s32 v1, v3  }
0x136: {  	[tilespmem:s17], [sflag:$0x2] =	stream.indirect_vreg.gather [hbm4b:s6+s3], $0x80, v4, vm0, $0xb8;
	[tilespmem:$0x1E200] =	vst v63  }
0x137: {  	s18 =	simm.s32 $0xFA00  }
0x138: {  	[tilespmem:s18], [sflag:$0x2] =	stream.indirect_vreg.gather [hbm4b:s7+s3], $0x80, v4, vm0, $0xb8;
	[tilespmem:$0x1E200] =	vst v63  }
0x139: {  	s19 =	simm.s32 $0x10200  }
0x13a: {  	[tilespmem:s19], [sflag:$0x2] =	stream.indirect_vreg.gather [hbm4b:s2+s3], $0x80, v3, vm0, $0xb8;
	[tilespmem:$0x1E200] =	vst v63  }
0x13b: {  	s20 =	simm.s32 $0x10A00  }
0x13c: {  	[tilespmem:s20], [sflag:$0x2] =	stream.indirect_vreg.gather [hbm4b:s5+s3], $0x80, v3, vm0, $0xb8;
	[tilespmem:$0x1E200] =	vst v63  }
0x13d: {  	s21 =	simm.s32 $0x11200  }
0x13e: {  	[tilespmem:s21], [sflag:$0x2] =	stream.indirect_vreg.gather [hbm4b:s6+s3], $0x80, v3, vm0, $0xb8;
	[tilespmem:$0x1E200] =	vst v63  }
0x13f: {  	s24 =	simm.s32 $0x11A00  }
0x140: {  	[tilespmem:s24], [sflag:$0x2] =	stream.indirect_vreg.gather [hbm4b:s7+s3], $0x80, v3, vm0, $0xb8;
	[tilespmem:$0x1E200] =	vst v63  }
0x141: {  	v3 =	vld.msk [tilespmem:$0xC0], $0xff;
	_ =	sdelay $0x4  }
0x142: {  	v40 =	vshll.u32 v3, $0x3  }
0x143: {  	v3 =	vand.u32 $0x7, v3;
	v4 =	vand.u32 $0xFFFFFFC0, v40  }
0x144: {  	v3 =	vor.u32 v3, v4  }
0x145: {  	v3 =	vperm.xlane v3, v0;
	_ =	sdelay $0x1  }
0x146: {  	v3 =	vadd.s32 v1, v3;
	_ =	sdelay $0x3  }
0x147: {  	s22 =	simm.s32 $0x12200  }
0x148: {  	[tilespmem:s22], [sflag:$0x2] =	stream.indirect_vreg.gather [hbm4b:s2+s3], $0x80, v3, vm0, $0xb8;
	[tilespmem:$0x1E200] =	vst v63  }
0x149: {  	s23 =	simm.s32 $0x12A00  }
0x14a: {  	[tilespmem:s23], [sflag:$0x2] =	stream.indirect_vreg.gather [hbm4b:s5+s3], $0x80, v3, vm0, $0xb8;
	[tilespmem:$0x1E200] =	vst v63  }
0x14b: {  	s24 =	simm.s32 $0x13200  }
0x14c: {  	[tilespmem:s24], [sflag:$0x2] =	stream.indirect_vreg.gather [hbm4b:s6+s3], $0x80, v3, vm0, $0xb8;
	[tilespmem:$0x1E200] =	vst v63  }
0x14d: {  	s9 =	simm.s32 $0x13A00  }
0x14e: {  	[tilespmem:s9], [sflag:$0x2] =	stream.indirect_vreg.gather [hbm4b:s7+s3], $0x80, v3, vm0, $0xb8;
	[tilespmem:$0x1E200] =	vst v63  }
0x14f: {  	_ =	swait.ge [sflag:s10], $0xA000  }
0x150: {  	[sflag:s10] =	ssyncset.done $0x0  }
0x151: {  	s9 =	rddreg [dreg:$0x7];
	[sflag:s10] =	ssyncadd.s32 $0xFFFF6000  }
0x152: {  	[hbm4b:s9+s3] =	stream.linear.scatter [tilespmem:s29], [sflag:$0x4], $0xA000, $0x38;
	[tilespmem:$0x1E200] =	vst v63  }
0x153: {  	_ =	swait.ge [sflag:s4], $0xA000  }
0x154: {  	[sflag:s4] =	ssyncset.done $0x0  }
0x155: {  	[sflag:s4] =	ssyncadd.s32 $0xFFFF6000  }
0x156: {  	v3 =	vld [tilespmem:$0xC8];
	_ =	sdelay $0x4  }
0x157: {  	v41 =	vshll.u32 v3, $0x3  }
0x158: {  	v3 =	vand.u32 $0x7, v3;
	v4 =	vand.u32 $0xFFFFFFC0, v41  }
0x159: {  	v3 =	vor.u32 v3, v4  }
0x15a: {  	v4 =	vperm.xlane v3, v0;
	_ =	sdelay $0x1  }
0x15b: {  	v4 =	vadd.s32 v1, v4;
	_ =	sdelay $0x3  }
0x15c: {  	s26 =	simm.s32 $0x14200  }
0x15d: {  	[tilespmem:s26], [sflag:$0x3] =	stream.indirect_vreg.gather [hbm4b:s2+s3], $0x80, v4, vm0, $0xb8;
	[tilespmem:$0x1E200] =	vst v63  }
0x15e: {  	v3 =	vperm.xlane v3, v2;
	s26 =	simm.s32 $0x14A00  }
0x15f: {  	[tilespmem:s26], [sflag:$0x3] =	stream.indirect_vreg.gather [hbm4b:s5+s3], $0x80, v4, vm0, $0xb8;
	[tilespmem:$0x1E200] =	vst v63  }
0x160: {  	v3 =	vadd.s32 v1, v3;
	s26 =	simm.s32 $0x15200  }
0x161: {  	[tilespmem:s26], [sflag:$0x3] =	stream.indirect_vreg.gather [hbm4b:s6+s3], $0x80, v4, vm0, $0xb8;
	[tilespmem:$0x1E200] =	vst v63  }
0x162: {  	s26 =	simm.s32 $0x15A00  }
0x163: {  	[tilespmem:s26], [sflag:$0x3] =	stream.indirect_vreg.gather [hbm4b:s7+s3], $0x80, v4, vm0, $0xb8;
	[tilespmem:$0x1E200] =	vst v63  }
0x164: {  	s26 =	simm.s32 $0x16200  }
0x165: {  	[tilespmem:s26], [sflag:$0x3] =	stream.indirect_vreg.gather [hbm4b:s2+s3], $0x80, v3, vm0, $0xb8;
	[tilespmem:$0x1E200] =	vst v63  }
0x166: {  	s26 =	simm.s32 $0x16A00  }
0x167: {  	[tilespmem:s26], [sflag:$0x3] =	stream.indirect_vreg.gather [hbm4b:s5+s3], $0x80, v3, vm0, $0xb8;
	[tilespmem:$0x1E200] =	vst v63  }
0x168: {  	s26 =	simm.s32 $0x17200  }
0x169: {  	[tilespmem:s26], [sflag:$0x3] =	stream.indirect_vreg.gather [hbm4b:s6+s3], $0x80, v3, vm0, $0xb8;
	[tilespmem:$0x1E200] =	vst v63  }
0x16a: {  	s26 =	simm.s32 $0x17A00  }
0x16b: {  	[tilespmem:s26], [sflag:$0x3] =	stream.indirect_vreg.gather [hbm4b:s7+s3], $0x80, v3, vm0, $0xb8;
	[tilespmem:$0x1E200] =	vst v63  }
0x16c: {  	v3 =	vld [tilespmem:$0xD8];
	_ =	sdelay $0x4  }
0x16d: {  	v42 =	vshll.u32 v3, $0x3  }
0x16e: {  	v3 =	vand.u32 $0x7, v3;
	v4 =	vand.u32 $0xFFFFFFC0, v42  }
0x16f: {  	v3 =	vor.u32 v3, v4  }
0x170: {  	v4 =	vperm.xlane v3, v0;
	_ =	sdelay $0x1  }
0x171: {  	v4 =	vadd.s32 v1, v4;
	_ =	sdelay $0x3  }
0x172: {  	s26 =	simm.s32 $0x18200  }
0x173: {  	[tilespmem:s26], [sflag:$0x3] =	stream.indirect_vreg.gather [hbm4b:s2+s3], $0x80, v4, vm0, $0xb8;
	[tilespmem:$0x1E200] =	vst v63  }
0x174: {  	v3 =	vperm.xlane v3, v2;
	s26 =	simm.s32 $0x18A00  }
0x175: {  	[tilespmem:s26], [sflag:$0x3] =	stream.indirect_vreg.gather [hbm4b:s5+s3], $0x80, v4, vm0, $0xb8;
	[tilespmem:$0x1E200] =	vst v63  }
0x176: {  	v3 =	vadd.s32 v1, v3;
	s26 =	simm.s32 $0x19200  }
0x177: {  	[tilespmem:s26], [sflag:$0x3] =	stream.indirect_vreg.gather [hbm4b:s6+s3], $0x80, v4, vm0, $0xb8;
	[tilespmem:$0x1E200] =	vst v63  }
0x178: {  	s26 =	simm.s32 $0x19A00  }
0x179: {  	[tilespmem:s26], [sflag:$0x3] =	stream.indirect_vreg.gather [hbm4b:s7+s3], $0x80, v4, vm0, $0xb8;
	[tilespmem:$0x1E200] =	vst v63  }
0x17a: {  	s26 =	simm.s32 $0x1A200  }
0x17b: {  	[tilespmem:s26], [sflag:$0x3] =	stream.indirect_vreg.gather [hbm4b:s2+s3], $0x80, v3, vm0, $0xb8;
	[tilespmem:$0x1E200] =	vst v63  }
0x17c: {  	s26 =	simm.s32 $0x1AA00  }
0x17d: {  	[tilespmem:s26], [sflag:$0x3] =	stream.indirect_vreg.gather [hbm4b:s5+s3], $0x80, v3, vm0, $0xb8;
	[tilespmem:$0x1E200] =	vst v63  }
0x17e: {  	s26 =	simm.s32 $0x1B200  }
0x17f: {  	[tilespmem:s26], [sflag:$0x3] =	stream.indirect_vreg.gather [hbm4b:s6+s3], $0x80, v3, vm0, $0xb8;
	[tilespmem:$0x1E200] =	vst v63  }
0x180: {  	s26 =	simm.s32 $0x1BA00  }
0x181: {  	[tilespmem:s26], [sflag:$0x3] =	stream.indirect_vreg.gather [hbm4b:s7+s3], $0x80, v3, vm0, $0xb8;
	[tilespmem:$0x1E200] =	vst v63  }
0x182: {  	v3 =	vld.msk [tilespmem:$0xE8], $0xff;
	_ =	sdelay $0x4  }
0x183: {  	v43 =	vshll.u32 v3, $0x3  }
0x184: {  	v3 =	vand.u32 $0x7, v3;
	v4 =	vand.u32 $0xFFFFFFC0, v43  }
0x185: {  	v3 =	vor.u32 v3, v4  }
0x186: {  	v3 =	vperm.xlane v3, v0;
	_ =	sdelay $0x1  }
0x187: {  	v3 =	vadd.s32 v1, v3;
	_ =	sdelay $0x3  }
0x188: {  	s26 =	simm.s32 $0x1C200  }
0x189: {  	[tilespmem:s26], [sflag:$0x3] =	stream.indirect_vreg.gather [hbm4b:s2+s3], $0x80, v3, vm0, $0xb8;
	[tilespmem:$0x1E200] =	vst v63  }
0x18a: {  	s26 =	simm.s32 $0x1CA00  }
0x18b: {  	[tilespmem:s26], [sflag:$0x3] =	stream.indirect_vreg.gather [hbm4b:s5+s3], $0x80, v3, vm0, $0xb8;
	[tilespmem:$0x1E200] =	vst v63  }
0x18c: {  	s26 =	simm.s32 $0x1D200  }
0x18d: {  	[tilespmem:s26], [sflag:$0x3] =	stream.indirect_vreg.gather [hbm4b:s6+s3], $0x80, v3, vm0, $0xb8;
	[tilespmem:$0x1E200] =	vst v63  }
0x18e: {  	s26 =	simm.s32 $0x1DA00  }
0x18f: {  	[tilespmem:s26], [sflag:$0x3] =	stream.indirect_vreg.gather [hbm4b:s7+s3], $0x80, v3, vm0, $0xb8;
	[tilespmem:$0x1E200] =	vst v63  }
0x190: {  	_ =	swait.ge [sflag:s14], $0xA000  }
0x191: {  	[sflag:s14] =	ssyncset.done $0x0  }
0x192: {  	s26 =	simm.s32 $0xA200;
	s11 =	rddreg [dreg:$0x8];
	[sflag:s14] =	ssyncadd.s32 $0xFFFF6000  }
0x193: {  	[hbm4b:s11+s3] =	stream.linear.scatter [tilespmem:s26], [sflag:$0x5], $0xA000, $0x38;
	[tilespmem:$0x1E200] =	vst v63  }
0x194: {  	_ =	swait.ge [sflag:s30], $0xA000  }
0x195: {  	[sflag:s30] =	ssyncset.done $0x0  }
0x196: {  	[sflag:s30] =	ssyncadd.s32 $0xFFFF6000  }
0x197: {  	v3 =	vld [tilespmem:$0xF0];
	_ =	sdelay $0x4  }
0x198: {  	v44 =	vshll.u32 v3, $0x3  }
0x199: {  	v3 =	vand.u32 $0x7, v3;
	v4 =	vand.u32 $0xFFFFFFC0, v44  }
0x19a: {  	v3 =	vor.u32 v3, v4  }
0x19b: {  	v4 =	vperm.xlane v3, v0;
	_ =	sdelay $0x1  }
0x19c: {  	v4 =	vadd.s32 v1, v4;
	_ =	sdelay $0x4  }
0x19d: {  	[tilespmem:s29], [sflag:$0x1] =	stream.indirect_vreg.gather [hbm4b:s2+s3], $0x80, v4, vm0, $0xb8;
	[tilespmem:$0x1E200] =	vst v63  }
0x19e: {  	s11 =	simm.s32 $0xA00;
	v3 =	vperm.xlane v3, v2  }
0x19f: {  	[tilespmem:s11], [sflag:$0x1] =	stream.indirect_vreg.gather [hbm4b:s5+s3], $0x80, v4, vm0, $0xb8;
	[tilespmem:$0x1E200] =	vst v63  }
0x1a0: {  	v3 =	vadd.s32 v1, v3;
	s11 =	simm.s32 $0x1200  }
0x1a1: {  	[tilespmem:s11], [sflag:$0x1] =	stream.indirect_vreg.gather [hbm4b:s6+s3], $0x80, v4, vm0, $0xb8;
	[tilespmem:$0x1E200] =	vst v63  }
0x1a2: {  	s11 =	simm.s32 $0x1A00  }
0x1a3: {  	[tilespmem:s11], [sflag:$0x1] =	stream.indirect_vreg.gather [hbm4b:s7+s3], $0x80, v4, vm0, $0xb8;
	[tilespmem:$0x1E200] =	vst v63  }
0x1a4: {  	s11 =	simm.s32 $0x2200  }
0x1a5: {  	[tilespmem:s11], [sflag:$0x1] =	stream.indirect_vreg.gather [hbm4b:s2+s3], $0x80, v3, vm0, $0xb8;
	[tilespmem:$0x1E200] =	vst v63  }
0x1a6: {  	s13 =	simm.s32 $0x2A00  }
0x1a7: {  	[tilespmem:s13], [sflag:$0x1] =	stream.indirect_vreg.gather [hbm4b:s5+s3], $0x80, v3, vm0, $0xb8;
	[tilespmem:$0x1E200] =	vst v63  }
0x1a8: {  	s13 =	simm.s32 $0x3200  }
0x1a9: {  	[tilespmem:s13], [sflag:$0x1] =	stream.indirect_vreg.gather [hbm4b:s6+s3], $0x80, v3, vm0, $0xb8;
	[tilespmem:$0x1E200] =	vst v63  }
0x1aa: {  	s13 =	simm.s32 $0x3A00  }
0x1ab: {  	[tilespmem:s13], [sflag:$0x1] =	stream.indirect_vreg.gather [hbm4b:s7+s3], $0x80, v3, vm0, $0xb8;
	[tilespmem:$0x1E200] =	vst v63  }
0x1ac: {  	v3 =	vld [tilespmem:$0x100];
	_ =	sdelay $0x4  }
0x1ad: {  	v45 =	vshll.u32 v3, $0x3  }
0x1ae: {  	v3 =	vand.u32 $0x7, v3;
	v4 =	vand.u32 $0xFFFFFFC0, v45  }
0x1af: {  	v3 =	vor.u32 v3, v4  }
0x1b0: {  	v4 =	vperm.xlane v3, v0;
	_ =	sdelay $0x1  }
0x1b1: {  	v4 =	vadd.s32 v1, v4;
	_ =	sdelay $0x3  }
0x1b2: {  	s13 =	simm.s32 $0x4200  }
0x1b3: {  	[tilespmem:s13], [sflag:$0x1] =	stream.indirect_vreg.gather [hbm4b:s2+s3], $0x80, v4, vm0, $0xb8;
	[tilespmem:$0x1E200] =	vst v63  }
0x1b4: {  	v3 =	vperm.xlane v3, v2;
	s13 =	simm.s32 $0x4A00  }
0x1b5: {  	[tilespmem:s13], [sflag:$0x1] =	stream.indirect_vreg.gather [hbm4b:s5+s3], $0x80, v4, vm0, $0xb8;
	[tilespmem:$0x1E200] =	vst v63  }
0x1b6: {  	v3 =	vadd.s32 v1, v3;
	s13 =	simm.s32 $0x5200  }
0x1b7: {  	[tilespmem:s13], [sflag:$0x1] =	stream.indirect_vreg.gather [hbm4b:s6+s3], $0x80, v4, vm0, $0xb8;
	[tilespmem:$0x1E200] =	vst v63  }
0x1b8: {  	s13 =	simm.s32 $0x5A00  }
0x1b9: {  	[tilespmem:s13], [sflag:$0x1] =	stream.indirect_vreg.gather [hbm4b:s7+s3], $0x80, v4, vm0, $0xb8;
	[tilespmem:$0x1E200] =	vst v63  }
0x1ba: {  	s13 =	simm.s32 $0x6200  }
0x1bb: {  	[tilespmem:s13], [sflag:$0x1] =	stream.indirect_vreg.gather [hbm4b:s2+s3], $0x80, v3, vm0, $0xb8;
	[tilespmem:$0x1E200] =	vst v63  }
0x1bc: {  	s13 =	simm.s32 $0x6A00  }
0x1bd: {  	[tilespmem:s13], [sflag:$0x1] =	stream.indirect_vreg.gather [hbm4b:s5+s3], $0x80, v3, vm0, $0xb8;
	[tilespmem:$0x1E200] =	vst v63  }
0x1be: {  	s13 =	simm.s32 $0x7200  }
0x1bf: {  	[tilespmem:s13], [sflag:$0x1] =	stream.indirect_vreg.gather [hbm4b:s6+s3], $0x80, v3, vm0, $0xb8;
	[tilespmem:$0x1E200] =	vst v63  }
0x1c0: {  	s13 =	simm.s32 $0x7A00  }
0x1c1: {  	[tilespmem:s13], [sflag:$0x1] =	stream.indirect_vreg.gather [hbm4b:s7+s3], $0x80, v3, vm0, $0xb8;
	[tilespmem:$0x1E200] =	vst v63  }
0x1c2: {  	v3 =	vld.msk [tilespmem:$0x110], $0xff;
	_ =	sdelay $0x4  }
0x1c3: {  	v46 =	vshll.u32 v3, $0x3  }
0x1c4: {  	v3 =	vand.u32 $0x7, v3;
	v4 =	vand.u32 $0xFFFFFFC0, v46  }
0x1c5: {  	v3 =	vor.u32 v3, v4  }
0x1c6: {  	v3 =	vperm.xlane v3, v0;
	_ =	sdelay $0x1  }
0x1c7: {  	v3 =	vadd.s32 v1, v3;
	_ =	sdelay $0x3  }
0x1c8: {  	s13 =	simm.s32 $0x8200  }
0x1c9: {  	[tilespmem:s13], [sflag:$0x1] =	stream.indirect_vreg.gather [hbm4b:s2+s3], $0x80, v3, vm0, $0xb8;
	[tilespmem:$0x1E200] =	vst v63  }
0x1ca: {  	s13 =	simm.s32 $0x8A00  }
0x1cb: {  	[tilespmem:s13], [sflag:$0x1] =	stream.indirect_vreg.gather [hbm4b:s5+s3], $0x80, v3, vm0, $0xb8;
	[tilespmem:$0x1E200] =	vst v63  }
0x1cc: {  	s13 =	simm.s32 $0x9200  }
0x1cd: {  	[tilespmem:s13], [sflag:$0x1] =	stream.indirect_vreg.gather [hbm4b:s6+s3], $0x80, v3, vm0, $0xb8;
	[tilespmem:$0x1E200] =	vst v63  }
0x1ce: {  	s13 =	simm.s32 $0x9A00  }
0x1cf: {  	[tilespmem:s13], [sflag:$0x1] =	stream.indirect_vreg.gather [hbm4b:s7+s3], $0x80, v3, vm0, $0xb8;
	[tilespmem:$0x1E200] =	vst v63  }
0x1d0: {  	_ =	swait.ge [sflag:s0], $0xA000  }
0x1d1: {  	[sflag:s0] =	ssyncset.done $0x0  }
0x1d2: {  	s9 =	simm.s32 $0x14200;
	s13 =	rddreg [dreg:$0x9];
	[sflag:s0] =	ssyncadd.s32 $0xFFFF6000  }
0x1d3: {  	[hbm4b:s13+s3] =	stream.linear.scatter [tilespmem:s9], [sflag:$0x6], $0xA000, $0x38;
	[tilespmem:$0x1E200] =	vst v63  }
0x1d4: {  	_ =	swait.ge [sflag:s1], $0xA000  }
0x1d5: {  	[sflag:s1] =	ssyncset.done $0x0  }
0x1d6: {  	[sflag:s1] =	ssyncadd.s32 $0xFFFF6000  }
0x1d7: {  	v3 =	vld [tilespmem:$0x118];
	_ =	sdelay $0x4  }
0x1d8: {  	v47 =	vshll.u32 v3, $0x3  }
0x1d9: {  	v3 =	vand.u32 $0x7, v3;
	v4 =	vand.u32 $0xFFFFFFC0, v47  }
0x1da: {  	v3 =	vor.u32 v3, v4  }
0x1db: {  	v4 =	vperm.xlane v3, v0;
	_ =	sdelay $0x1  }
0x1dc: {  	v4 =	vadd.s32 v1, v4;
	_ =	sdelay $0x4  }
0x1dd: {  	[tilespmem:s26], [sflag:$0x2] =	stream.indirect_vreg.gather [hbm4b:s2+s3], $0x80, v4, vm0, $0xb8;
	[tilespmem:$0x1E200] =	vst v63  }
0x1de: {  	v3 =	vperm.xlane v3, v2  }
0x1df: {  	[tilespmem:s25], [sflag:$0x2] =	stream.indirect_vreg.gather [hbm4b:s5+s3], $0x80, v4, vm0, $0xb8;
	[tilespmem:$0x1E200] =	vst v63  }
0x1e0: {  	s9 =	simm.s32 $0xB200;
	v3 =	vadd.s32 v1, v3  }
0x1e1: {  	[tilespmem:s9], [sflag:$0x2] =	stream.indirect_vreg.gather [hbm4b:s6+s3], $0x80, v4, vm0, $0xb8;
	[tilespmem:$0x1E200] =	vst v63  }
0x1e2: {  	_ = 	snop  }
0x1e3: {  	[tilespmem:s12], [sflag:$0x2] =	stream.indirect_vreg.gather [hbm4b:s7+s3], $0x80, v4, vm0, $0xb8;
	[tilespmem:$0x1E200] =	vst v63  }
0x1e4: {  	s12 =	simm.s32 $0xC200  }
0x1e5: {  	[tilespmem:s12], [sflag:$0x2] =	stream.indirect_vreg.gather [hbm4b:s2+s3], $0x80, v3, vm0, $0xb8;
	[tilespmem:$0x1E200] =	vst v63  }
0x1e6: {  	_ = 	snop  }
0x1e7: {  	[tilespmem:s15], [sflag:$0x2] =	stream.indirect_vreg.gather [hbm4b:s5+s3], $0x80, v3, vm0, $0xb8;
	[tilespmem:$0x1E200] =	vst v63  }
0x1e8: {  	_ = 	snop  }
0x1e9: {  	[tilespmem:s16], [sflag:$0x2] =	stream.indirect_vreg.gather [hbm4b:s6+s3], $0x80, v3, vm0, $0xb8;
	[tilespmem:$0x1E200] =	vst v63  }
0x1ea: {  	_ = 	snop  }
0x1eb: {  	[tilespmem:s31], [sflag:$0x2] =	stream.indirect_vreg.gather [hbm4b:s7+s3], $0x80, v3, vm0, $0xb8;
	[tilespmem:$0x1E200] =	vst v63  }
0x1ec: {  	v3 =	vld [tilespmem:$0x128];
	_ =	sdelay $0x4  }
0x1ed: {  	v48 =	vshll.u32 v3, $0x3  }
0x1ee: {  	v3 =	vand.u32 $0x7, v3;
	v4 =	vand.u32 $0xFFFFFFC0, v48  }
0x1ef: {  	v3 =	vor.u32 v3, v4  }
0x1f0: {  	v4 =	vperm.xlane v3, v0;
	_ =	sdelay $0x1  }
0x1f1: {  	v4 =	vadd.s32 v1, v4;
	_ =	sdelay $0x3  }
0x1f2: {  	s16 =	simm.s32 $0xE200  }
0x1f3: {  	[tilespmem:s16], [sflag:$0x2] =	stream.indirect_vreg.gather [hbm4b:s2+s3], $0x80, v4, vm0, $0xb8;
	[tilespmem:$0x1E200] =	vst v63  }
0x1f4: {  	v3 =	vperm.xlane v3, v2  }
0x1f5: {  	[tilespmem:s28], [sflag:$0x2] =	stream.indirect_vreg.gather [hbm4b:s5+s3], $0x80, v4, vm0, $0xb8;
	[tilespmem:$0x1E200] =	vst v63  }
0x1f6: {  	v3 =	vadd.s32 v1, v3  }
0x1f7: {  	[tilespmem:s17], [sflag:$0x2] =	stream.indirect_vreg.gather [hbm4b:s6+s3], $0x80, v4, vm0, $0xb8;
	[tilespmem:$0x1E200] =	vst v63  }
0x1f8: {  	_ = 	snop  }
0x1f9: {  	[tilespmem:s18], [sflag:$0x2] =	stream.indirect_vreg.gather [hbm4b:s7+s3], $0x80, v4, vm0, $0xb8;
	[tilespmem:$0x1E200] =	vst v63  }
0x1fa: {  	_ = 	snop  }
0x1fb: {  	[tilespmem:s19], [sflag:$0x2] =	stream.indirect_vreg.gather [hbm4b:s2+s3], $0x80, v3, vm0, $0xb8;
	[tilespmem:$0x1E200] =	vst v63  }
0x1fc: {  	_ = 	snop  }
0x1fd: {  	[tilespmem:s20], [sflag:$0x2] =	stream.indirect_vreg.gather [hbm4b:s5+s3], $0x80, v3, vm0, $0xb8;
	[tilespmem:$0x1E200] =	vst v63  }
0x1fe: {  	_ = 	snop  }
0x1ff: {  	[tilespmem:s21], [sflag:$0x2] =	stream.indirect_vreg.gather [hbm4b:s6+s3], $0x80, v3, vm0, $0xb8;
	[tilespmem:$0x1E200] =	vst v63  }
0x200: {  	s19 =	simm.s32 $0x11A00  }
0x201: {  	[tilespmem:s19], [sflag:$0x2] =	stream.indirect_vreg.gather [hbm4b:s7+s3], $0x80, v3, vm0, $0xb8;
	[tilespmem:$0x1E200] =	vst v63  }
0x202: {  	v3 =	vld.msk [tilespmem:$0x138], $0xff;
	_ =	sdelay $0x4  }
0x203: {  	v49 =	vshll.u32 v3, $0x3  }
0x204: {  	v3 =	vand.u32 $0x7, v3;
	v4 =	vand.u32 $0xFFFFFFC0, v49  }
0x205: {  	v3 =	vor.u32 v3, v4  }
0x206: {  	v3 =	vperm.xlane v3, v0;
	_ =	sdelay $0x1  }
0x207: {  	v3 =	vadd.s32 v1, v3;
	_ =	sdelay $0x4  }
0x208: {  	[tilespmem:s22], [sflag:$0x2] =	stream.indirect_vreg.gather [hbm4b:s2+s3], $0x80, v3, vm0, $0xb8;
	[tilespmem:$0x1E200] =	vst v63  }
0x209: {  	_ = 	snop  }
0x20a: {  	[tilespmem:s23], [sflag:$0x2] =	stream.indirect_vreg.gather [hbm4b:s5+s3], $0x80, v3, vm0, $0xb8;
	[tilespmem:$0x1E200] =	vst v63  }
0x20b: {  	_ = 	snop  }
0x20c: {  	[tilespmem:s24], [sflag:$0x2] =	stream.indirect_vreg.gather [hbm4b:s6+s3], $0x80, v3, vm0, $0xb8;
	[tilespmem:$0x1E200] =	vst v63  }
0x20d: {  	s20 =	simm.s32 $0x13A00  }
0x20e: {  	[tilespmem:s20], [sflag:$0x2] =	stream.indirect_vreg.gather [hbm4b:s7+s3], $0x80, v3, vm0, $0xb8;
	[tilespmem:$0x1E200] =	vst v63  }
0x20f: {  	_ =	swait.ge [sflag:s10], $0xA000  }
0x210: {  	[sflag:s10] =	ssyncset.done $0x0  }
0x211: {  	s21 =	rddreg [dreg:$0xa];
	[sflag:s10] =	ssyncadd.s32 $0xFFFF6000  }
0x212: {  	[hbm4b:s21+s3] =	stream.linear.scatter [tilespmem:s29], [sflag:$0x4], $0xA000, $0x38;
	[tilespmem:$0x1E200] =	vst v63  }
0x213: {  	_ =	swait.ge [sflag:s4], $0xA000  }
0x214: {  	[sflag:s4] =	ssyncset.done $0x0  }
0x215: {  	[sflag:s4] =	ssyncadd.s32 $0xFFFF6000  }
0x216: {  	v3 =	vld [tilespmem:$0x140];
	_ =	sdelay $0x4  }
0x217: {  	v50 =	vshll.u32 v3, $0x3  }
0x218: {  	v3 =	vand.u32 $0x7, v3;
	v4 =	vand.u32 $0xFFFFFFC0, v50  }
0x219: {  	v3 =	vor.u32 v3, v4  }
0x21a: {  	v4 =	vperm.xlane v3, v0;
	_ =	sdelay $0x1  }
0x21b: {  	v4 =	vadd.s32 v1, v4;
	_ =	sdelay $0x3  }
0x21c: {  	s13 =	simm.s32 $0x14200  }
0x21d: {  	[tilespmem:s13], [sflag:$0x3] =	stream.indirect_vreg.gather [hbm4b:s2+s3], $0x80, v4, vm0, $0xb8;
	[tilespmem:$0x1E200] =	vst v63  }
0x21e: {  	s22 =	simm.s32 $0x14A00;
	v3 =	vperm.xlane v3, v2  }
0x21f: {  	[tilespmem:s22], [sflag:$0x3] =	stream.indirect_vreg.gather [hbm4b:s5+s3], $0x80, v4, vm0, $0xb8;
	[tilespmem:$0x1E200] =	vst v63  }
0x220: {  	s23 =	simm.s32 $0x15200;
	v3 =	vadd.s32 v1, v3  }
0x221: {  	[tilespmem:s23], [sflag:$0x3] =	stream.indirect_vreg.gather [hbm4b:s6+s3], $0x80, v4, vm0, $0xb8;
	[tilespmem:$0x1E200] =	vst v63  }
0x222: {  	s31 =	simm.s32 $0x15A00  }
0x223: {  	[tilespmem:s31], [sflag:$0x3] =	stream.indirect_vreg.gather [hbm4b:s7+s3], $0x80, v4, vm0, $0xb8;
	[tilespmem:$0x1E200] =	vst v63  }
0x224: {  	s13 =	simm.s32 $0x16200  }
0x225: {  	[tilespmem:s13], [sflag:$0x3] =	stream.indirect_vreg.gather [hbm4b:s2+s3], $0x80, v3, vm0, $0xb8;
	[tilespmem:$0x1E200] =	vst v63  }
0x226: {  	s15 =	simm.s32 $0x16A00  }
0x227: {  	[tilespmem:s15], [sflag:$0x3] =	stream.indirect_vreg.gather [hbm4b:s5+s3], $0x80, v3, vm0, $0xb8;
	[tilespmem:$0x1E200] =	vst v63  }
0x228: {  	s16 =	simm.s32 $0x17200  }
0x229: {  	[tilespmem:s16], [sflag:$0x3] =	stream.indirect_vreg.gather [hbm4b:s6+s3], $0x80, v3, vm0, $0xb8;
	[tilespmem:$0x1E200] =	vst v63  }
0x22a: {  	s24 =	simm.s32 $0x17A00  }
0x22b: {  	[tilespmem:s24], [sflag:$0x3] =	stream.indirect_vreg.gather [hbm4b:s7+s3], $0x80, v3, vm0, $0xb8;
	[tilespmem:$0x1E200] =	vst v63  }
0x22c: {  	v3 =	vld [tilespmem:$0x150];
	_ =	sdelay $0x4  }
0x22d: {  	v51 =	vshll.u32 v3, $0x3  }
0x22e: {  	v3 =	vand.u32 $0x7, v3;
	v4 =	vand.u32 $0xFFFFFFC0, v51  }
0x22f: {  	v3 =	vor.u32 v3, v4  }
0x230: {  	v4 =	vperm.xlane v3, v0;
	_ =	sdelay $0x1  }
0x231: {  	v4 =	vadd.s32 v1, v4;
	_ =	sdelay $0x3  }
0x232: {  	s25 =	simm.s32 $0x18200  }
0x233: {  	[tilespmem:s25], [sflag:$0x3] =	stream.indirect_vreg.gather [hbm4b:s2+s3], $0x80, v4, vm0, $0xb8;
	[tilespmem:$0x1E200] =	vst v63  }
0x234: {  	s26 =	simm.s32 $0x18A00;
	v3 =	vperm.xlane v3, v2  }
0x235: {  	[tilespmem:s26], [sflag:$0x3] =	stream.indirect_vreg.gather [hbm4b:s5+s3], $0x80, v4, vm0, $0xb8;
	[tilespmem:$0x1E200] =	vst v63  }
0x236: {  	s17 =	simm.s32 $0x19200;
	v3 =	vadd.s32 v1, v3  }
0x237: {  	[tilespmem:s17], [sflag:$0x3] =	stream.indirect_vreg.gather [hbm4b:s6+s3], $0x80, v4, vm0, $0xb8;
	[tilespmem:$0x1E200] =	vst v63  }
0x238: {  	s18 =	simm.s32 $0x19A00  }
0x239: {  	[tilespmem:s18], [sflag:$0x3] =	stream.indirect_vreg.gather [hbm4b:s7+s3], $0x80, v4, vm0, $0xb8;
	[tilespmem:$0x1E200] =	vst v63  }
0x23a: {  	s19 =	simm.s32 $0x1A200  }
0x23b: {  	[tilespmem:s19], [sflag:$0x3] =	stream.indirect_vreg.gather [hbm4b:s2+s3], $0x80, v3, vm0, $0xb8;
	[tilespmem:$0x1E200] =	vst v63  }
0x23c: {  	s20 =	simm.s32 $0x1AA00  }
0x23d: {  	[tilespmem:s20], [sflag:$0x3] =	stream.indirect_vreg.gather [hbm4b:s5+s3], $0x80, v3, vm0, $0xb8;
	[tilespmem:$0x1E200] =	vst v63  }
0x23e: {  	s21 =	simm.s32 $0x1B200  }
0x23f: {  	[tilespmem:s21], [sflag:$0x3] =	stream.indirect_vreg.gather [hbm4b:s6+s3], $0x80, v3, vm0, $0xb8;
	[tilespmem:$0x1E200] =	vst v63  }
0x240: {  	s9 =	simm.s32 $0x1BA00  }
0x241: {  	[tilespmem:s9], [sflag:$0x3] =	stream.indirect_vreg.gather [hbm4b:s7+s3], $0x80, v3, vm0, $0xb8;
	[tilespmem:$0x1E200] =	vst v63  }
0x242: {  	v3 =	vld.msk [tilespmem:$0x160], $0xff;
	_ =	sdelay $0x4  }
0x243: {  	v52 =	vshll.u32 v3, $0x3  }
0x244: {  	v3 =	vand.u32 $0x7, v3;
	v4 =	vand.u32 $0xFFFFFFC0, v52  }
0x245: {  	v3 =	vor.u32 v3, v4  }
0x246: {  	v3 =	vperm.xlane v3, v0;
	_ =	sdelay $0x1  }
0x247: {  	v3 =	vadd.s32 v1, v3;
	_ =	sdelay $0x3  }
0x248: {  	s22 =	simm.s32 $0x1C200  }
0x249: {  	[tilespmem:s22], [sflag:$0x3] =	stream.indirect_vreg.gather [hbm4b:s2+s3], $0x80, v3, vm0, $0xb8;
	[tilespmem:$0x1E200] =	vst v63  }
0x24a: {  	s23 =	simm.s32 $0x1CA00  }
0x24b: {  	[tilespmem:s23], [sflag:$0x3] =	stream.indirect_vreg.gather [hbm4b:s5+s3], $0x80, v3, vm0, $0xb8;
	[tilespmem:$0x1E200] =	vst v63  }
0x24c: {  	s24 =	simm.s32 $0x1D200  }
0x24d: {  	[tilespmem:s24], [sflag:$0x3] =	stream.indirect_vreg.gather [hbm4b:s6+s3], $0x80, v3, vm0, $0xb8;
	[tilespmem:$0x1E200] =	vst v63  }
0x24e: {  	s12 =	simm.s32 $0x1DA00  }
0x24f: {  	[tilespmem:s12], [sflag:$0x3] =	stream.indirect_vreg.gather [hbm4b:s7+s3], $0x80, v3, vm0, $0xb8;
	[tilespmem:$0x1E200] =	vst v63  }
0x250: {  	_ =	swait.ge [sflag:s14], $0xA000  }
0x251: {  	[sflag:s14] =	ssyncset.done $0x0  }
0x252: {  	s9 =	simm.s32 $0xA200;
	s25 =	rddreg [dreg:$0xb];
	[sflag:s14] =	ssyncadd.s32 $0xFFFF6000  }
0x253: {  	[hbm4b:s25+s3] =	stream.linear.scatter [tilespmem:s9], [sflag:$0x5], $0xA000, $0x38;
	[tilespmem:$0x1E200] =	vst v63  }
0x254: {  	_ =	swait.ge [sflag:s30], $0xA000  }
0x255: {  	[sflag:s30] =	ssyncset.done $0x0  }
0x256: {  	[sflag:s30] =	ssyncadd.s32 $0xFFFF6000  }
0x257: {  	v3 =	vld [tilespmem:$0x168];
	_ =	sdelay $0x4  }
0x258: {  	v53 =	vshll.u32 v3, $0x3  }
0x259: {  	v3 =	vand.u32 $0x7, v3;
	v4 =	vand.u32 $0xFFFFFFC0, v53  }
0x25a: {  	v3 =	vor.u32 v3, v4  }
0x25b: {  	v4 =	vperm.xlane v3, v0;
	_ =	sdelay $0x1  }
0x25c: {  	v4 =	vadd.s32 v1, v4;
	_ =	sdelay $0x4  }
0x25d: {  	[tilespmem:s29], [sflag:$0x1] =	stream.indirect_vreg.gather [hbm4b:s2+s3], $0x80, v4, vm0, $0xb8;
	[tilespmem:$0x1E200] =	vst v63  }
0x25e: {  	s26 =	simm.s32 $0xA00;
	v3 =	vperm.xlane v3, v2  }
0x25f: {  	[tilespmem:s26], [sflag:$0x1] =	stream.indirect_vreg.gather [hbm4b:s5+s3], $0x80, v4, vm0, $0xb8;
	[tilespmem:$0x1E200] =	vst v63  }
0x260: {  	s25 =	simm.s32 $0x1200;
	v3 =	vadd.s32 v1, v3  }
0x261: {  	[tilespmem:s25], [sflag:$0x1] =	stream.indirect_vreg.gather [hbm4b:s6+s3], $0x80, v4, vm0, $0xb8;
	[tilespmem:$0x1E200] =	vst v63  }
0x262: {  	s26 =	simm.s32 $0x1A00  }
0x263: {  	[tilespmem:s26], [sflag:$0x1] =	stream.indirect_vreg.gather [hbm4b:s7+s3], $0x80, v4, vm0, $0xb8;
	[tilespmem:$0x1E200] =	vst v63  }
0x264: {  	s12 =	simm.s32 $0x2200  }
0x265: {  	[tilespmem:s12], [sflag:$0x1] =	stream.indirect_vreg.gather [hbm4b:s2+s3], $0x80, v3, vm0, $0xb8;
	[tilespmem:$0x1E200] =	vst v63  }
0x266: {  	s12 =	simm.s32 $0x2A00  }
0x267: {  	[tilespmem:s12], [sflag:$0x1] =	stream.indirect_vreg.gather [hbm4b:s5+s3], $0x80, v3, vm0, $0xb8;
	[tilespmem:$0x1E200] =	vst v63  }
0x268: {  	s12 =	simm.s32 $0x3200  }
0x269: {  	[tilespmem:s12], [sflag:$0x1] =	stream.indirect_vreg.gather [hbm4b:s6+s3], $0x80, v3, vm0, $0xb8;
	[tilespmem:$0x1E200] =	vst v63  }
0x26a: {  	s12 =	simm.s32 $0x3A00  }
0x26b: {  	[tilespmem:s12], [sflag:$0x1] =	stream.indirect_vreg.gather [hbm4b:s7+s3], $0x80, v3, vm0, $0xb8;
	[tilespmem:$0x1E200] =	vst v63  }
0x26c: {  	v3 =	vld [tilespmem:$0x178];
	_ =	sdelay $0x4  }
0x26d: {  	v54 =	vshll.u32 v3, $0x3  }
0x26e: {  	v3 =	vand.u32 $0x7, v3;
	v4 =	vand.u32 $0xFFFFFFC0, v54  }
0x26f: {  	v3 =	vor.u32 v3, v4  }
0x270: {  	v4 =	vperm.xlane v3, v0;
	_ =	sdelay $0x1  }
0x271: {  	v4 =	vadd.s32 v1, v4;
	_ =	sdelay $0x3  }
0x272: {  	s12 =	simm.s32 $0x4200  }
0x273: {  	[tilespmem:s12], [sflag:$0x1] =	stream.indirect_vreg.gather [hbm4b:s2+s3], $0x80, v4, vm0, $0xb8;
	[tilespmem:$0x1E200] =	vst v63  }
0x274: {  	v3 =	vperm.xlane v3, v2;
	s12 =	simm.s32 $0x4A00  }
0x275: {  	[tilespmem:s12], [sflag:$0x1] =	stream.indirect_vreg.gather [hbm4b:s5+s3], $0x80, v4, vm0, $0xb8;
	[tilespmem:$0x1E200] =	vst v63  }
0x276: {  	v3 =	vadd.s32 v1, v3;
	s12 =	simm.s32 $0x5200  }
0x277: {  	[tilespmem:s12], [sflag:$0x1] =	stream.indirect_vreg.gather [hbm4b:s6+s3], $0x80, v4, vm0, $0xb8;
	[tilespmem:$0x1E200] =	vst v63  }
0x278: {  	s12 =	simm.s32 $0x5A00  }
0x279: {  	[tilespmem:s12], [sflag:$0x1] =	stream.indirect_vreg.gather [hbm4b:s7+s3], $0x80, v4, vm0, $0xb8;
	[tilespmem:$0x1E200] =	vst v63  }
0x27a: {  	s12 =	simm.s32 $0x6200  }
0x27b: {  	[tilespmem:s12], [sflag:$0x1] =	stream.indirect_vreg.gather [hbm4b:s2+s3], $0x80, v3, vm0, $0xb8;
	[tilespmem:$0x1E200] =	vst v63  }
0x27c: {  	s12 =	simm.s32 $0x6A00  }
0x27d: {  	[tilespmem:s12], [sflag:$0x1] =	stream.indirect_vreg.gather [hbm4b:s5+s3], $0x80, v3, vm0, $0xb8;
	[tilespmem:$0x1E200] =	vst v63  }
0x27e: {  	s12 =	simm.s32 $0x7200  }
0x27f: {  	[tilespmem:s12], [sflag:$0x1] =	stream.indirect_vreg.gather [hbm4b:s6+s3], $0x80, v3, vm0, $0xb8;
	[tilespmem:$0x1E200] =	vst v63  }
0x280: {  	s12 =	simm.s32 $0x7A00  }
0x281: {  	[tilespmem:s12], [sflag:$0x1] =	stream.indirect_vreg.gather [hbm4b:s7+s3], $0x80, v3, vm0, $0xb8;
	[tilespmem:$0x1E200] =	vst v63  }
0x282: {  	v3 =	vld.msk [tilespmem:$0x188], $0xff;
	_ =	sdelay $0x4  }
0x283: {  	v55 =	vshll.u32 v3, $0x3  }
0x284: {  	v3 =	vand.u32 $0x7, v3;
	v4 =	vand.u32 $0xFFFFFFC0, v55  }
0x285: {  	v3 =	vor.u32 v3, v4  }
0x286: {  	v3 =	vperm.xlane v3, v0;
	_ =	sdelay $0x1  }
0x287: {  	v3 =	vadd.s32 v1, v3;
	_ =	sdelay $0x3  }
0x288: {  	s12 =	simm.s32 $0x8200  }
0x289: {  	[tilespmem:s12], [sflag:$0x1] =	stream.indirect_vreg.gather [hbm4b:s2+s3], $0x80, v3, vm0, $0xb8;
	[tilespmem:$0x1E200] =	vst v63  }
0x28a: {  	s12 =	simm.s32 $0x8A00  }
0x28b: {  	[tilespmem:s12], [sflag:$0x1] =	stream.indirect_vreg.gather [hbm4b:s5+s3], $0x80, v3, vm0, $0xb8;
	[tilespmem:$0x1E200] =	vst v63  }
0x28c: {  	s12 =	simm.s32 $0x9200  }
0x28d: {  	[tilespmem:s12], [sflag:$0x1] =	stream.indirect_vreg.gather [hbm4b:s6+s3], $0x80, v3, vm0, $0xb8;
	[tilespmem:$0x1E200] =	vst v63  }
0x28e: {  	s12 =	simm.s32 $0x9A00  }
0x28f: {  	[tilespmem:s12], [sflag:$0x1] =	stream.indirect_vreg.gather [hbm4b:s7+s3], $0x80, v3, vm0, $0xb8;
	[tilespmem:$0x1E200] =	vst v63  }
0x290: {  	_ =	swait.ge [sflag:s0], $0xA000  }
0x291: {  	[sflag:s0] =	ssyncset.done $0x0  }
0x292: {  	s12 =	simm.s32 $0x14200;
	s11 =	rddreg [dreg:$0xc];
	[sflag:s0] =	ssyncadd.s32 $0xFFFF6000  }
0x293: {  	[hbm4b:s11+s3] =	stream.linear.scatter [tilespmem:s12], [sflag:$0x6], $0xA000, $0x38;
	[tilespmem:$0x1E200] =	vst v63  }
0x294: {  	_ =	swait.ge [sflag:s1], $0xA000  }
0x295: {  	[sflag:s1] =	ssyncset.done $0x0  }
0x296: {  	[sflag:s1] =	ssyncadd.s32 $0xFFFF6000  }
0x297: {  	v3 =	vld [tilespmem:$0x190];
	_ =	sdelay $0x4  }
0x298: {  	v56 =	vshll.u32 v3, $0x3  }
0x299: {  	v3 =	vand.u32 $0x7, v3;
	v4 =	vand.u32 $0xFFFFFFC0, v56  }
0x29a: {  	v3 =	vor.u32 v3, v4  }
0x29b: {  	v4 =	vperm.xlane v3, v0;
	_ =	sdelay $0x1  }
0x29c: {  	v4 =	vadd.s32 v1, v4;
	_ =	sdelay $0x4  }
0x29d: {  	[tilespmem:s9], [sflag:$0x2] =	stream.indirect_vreg.gather [hbm4b:s2+s3], $0x80, v4, vm0, $0xb8;
	[tilespmem:$0x1E200] =	vst v63  }
0x29e: {  	s11 =	simm.s32 $0xAA00;
	v3 =	vperm.xlane v3, v2  }
0x29f: {  	[tilespmem:s11], [sflag:$0x2] =	stream.indirect_vreg.gather [hbm4b:s5+s3], $0x80, v4, vm0, $0xb8;
	[tilespmem:$0x1E200] =	vst v63  }
0x2a0: {  	v3 =	vadd.s32 v1, v3;
	s11 =	simm.s32 $0xB200  }
0x2a1: {  	[tilespmem:s11], [sflag:$0x2] =	stream.indirect_vreg.gather [hbm4b:s6+s3], $0x80, v4, vm0, $0xb8;
	[tilespmem:$0x1E200] =	vst v63  }
0x2a2: {  	s11 =	simm.s32 $0xBA00  }
0x2a3: {  	[tilespmem:s11], [sflag:$0x2] =	stream.indirect_vreg.gather [hbm4b:s7+s3], $0x80, v4, vm0, $0xb8;
	[tilespmem:$0x1E200] =	vst v63  }
0x2a4: {  	s11 =	simm.s32 $0xC200  }
0x2a5: {  	[tilespmem:s11], [sflag:$0x2] =	stream.indirect_vreg.gather [hbm4b:s2+s3], $0x80, v3, vm0, $0xb8;
	[tilespmem:$0x1E200] =	vst v63  }
0x2a6: {  	s11 =	simm.s32 $0xCA00  }
0x2a7: {  	[tilespmem:s11], [sflag:$0x2] =	stream.indirect_vreg.gather [hbm4b:s5+s3], $0x80, v3, vm0, $0xb8;
	[tilespmem:$0x1E200] =	vst v63  }
0x2a8: {  	s11 =	simm.s32 $0xD200  }
0x2a9: {  	[tilespmem:s11], [sflag:$0x2] =	stream.indirect_vreg.gather [hbm4b:s6+s3], $0x80, v3, vm0, $0xb8;
	[tilespmem:$0x1E200] =	vst v63  }
0x2aa: {  	s11 =	simm.s32 $0xDA00  }
0x2ab: {  	[tilespmem:s11], [sflag:$0x2] =	stream.indirect_vreg.gather [hbm4b:s7+s3], $0x80, v3, vm0, $0xb8;
	[tilespmem:$0x1E200] =	vst v63  }
0x2ac: {  	v3 =	vld [tilespmem:$0x1A0];
	_ =	sdelay $0x4  }
0x2ad: {  	v57 =	vshll.u32 v3, $0x3  }
0x2ae: {  	v3 =	vand.u32 $0x7, v3;
	v4 =	vand.u32 $0xFFFFFFC0, v57  }
0x2af: {  	v3 =	vor.u32 v3, v4  }
0x2b0: {  	v4 =	vperm.xlane v3, v0;
	_ =	sdelay $0x1  }
0x2b1: {  	v4 =	vadd.s32 v1, v4;
	_ =	sdelay $0x3  }
0x2b2: {  	s11 =	simm.s32 $0xE200  }
0x2b3: {  	[tilespmem:s11], [sflag:$0x2] =	stream.indirect_vreg.gather [hbm4b:s2+s3], $0x80, v4, vm0, $0xb8;
	[tilespmem:$0x1E200] =	vst v63  }
0x2b4: {  	s28 =	simm.s32 $0xEA00;
	v3 =	vperm.xlane v3, v2  }
0x2b5: {  	[tilespmem:s28], [sflag:$0x2] =	stream.indirect_vreg.gather [hbm4b:s5+s3], $0x80, v4, vm0, $0xb8;
	[tilespmem:$0x1E200] =	vst v63  }
0x2b6: {  	v3 =	vadd.s32 v1, v3;
	s28 =	simm.s32 $0xF200  }
0x2b7: {  	[tilespmem:s28], [sflag:$0x2] =	stream.indirect_vreg.gather [hbm4b:s6+s3], $0x80, v4, vm0, $0xb8;
	[tilespmem:$0x1E200] =	vst v63  }
0x2b8: {  	s28 =	simm.s32 $0xFA00  }
0x2b9: {  	[tilespmem:s28], [sflag:$0x2] =	stream.indirect_vreg.gather [hbm4b:s7+s3], $0x80, v4, vm0, $0xb8;
	[tilespmem:$0x1E200] =	vst v63  }
0x2ba: {  	s28 =	simm.s32 $0x10200  }
0x2bb: {  	[tilespmem:s28], [sflag:$0x2] =	stream.indirect_vreg.gather [hbm4b:s2+s3], $0x80, v3, vm0, $0xb8;
	[tilespmem:$0x1E200] =	vst v63  }
0x2bc: {  	s28 =	simm.s32 $0x10A00  }
0x2bd: {  	[tilespmem:s28], [sflag:$0x2] =	stream.indirect_vreg.gather [hbm4b:s5+s3], $0x80, v3, vm0, $0xb8;
	[tilespmem:$0x1E200] =	vst v63  }
0x2be: {  	s28 =	simm.s32 $0x11200  }
0x2bf: {  	[tilespmem:s28], [sflag:$0x2] =	stream.indirect_vreg.gather [hbm4b:s6+s3], $0x80, v3, vm0, $0xb8;
	[tilespmem:$0x1E200] =	vst v63  }
0x2c0: {  	s28 =	simm.s32 $0x11A00  }
0x2c1: {  	[tilespmem:s28], [sflag:$0x2] =	stream.indirect_vreg.gather [hbm4b:s7+s3], $0x80, v3, vm0, $0xb8;
	[tilespmem:$0x1E200] =	vst v63  }
0x2c2: {  	v3 =	vld.msk [tilespmem:$0x1B0], $0xff;
	_ =	sdelay $0x4  }
0x2c3: {  	v58 =	vshll.u32 v3, $0x3  }
0x2c4: {  	v3 =	vand.u32 $0x7, v3;
	v4 =	vand.u32 $0xFFFFFFC0, v58  }
0x2c5: {  	v3 =	vor.u32 v3, v4  }
0x2c6: {  	v3 =	vperm.xlane v3, v0;
	_ =	sdelay $0x1  }
0x2c7: {  	v3 =	vadd.s32 v1, v3;
	_ =	sdelay $0x3  }
0x2c8: {  	s28 =	simm.s32 $0x12200  }
0x2c9: {  	[tilespmem:s28], [sflag:$0x2] =	stream.indirect_vreg.gather [hbm4b:s2+s3], $0x80, v3, vm0, $0xb8;
	[tilespmem:$0x1E200] =	vst v63  }
0x2ca: {  	s28 =	simm.s32 $0x12A00  }
0x2cb: {  	[tilespmem:s28], [sflag:$0x2] =	stream.indirect_vreg.gather [hbm4b:s5+s3], $0x80, v3, vm0, $0xb8;
	[tilespmem:$0x1E200] =	vst v63  }
0x2cc: {  	s28 =	simm.s32 $0x13200  }
0x2cd: {  	[tilespmem:s28], [sflag:$0x2] =	stream.indirect_vreg.gather [hbm4b:s6+s3], $0x80, v3, vm0, $0xb8;
	[tilespmem:$0x1E200] =	vst v63  }
0x2ce: {  	s28 =	simm.s32 $0x13A00  }
0x2cf: {  	[tilespmem:s28], [sflag:$0x2] =	stream.indirect_vreg.gather [hbm4b:s7+s3], $0x80, v3, vm0, $0xb8;
	[tilespmem:$0x1E200] =	vst v63  }
0x2d0: {  	_ =	swait.ge [sflag:s10], $0xA000  }
0x2d1: {  	[sflag:s10] =	ssyncset.done $0x0  }
0x2d2: {  	s28 =	rddreg [dreg:$0xd];
	[sflag:s10] =	ssyncadd.s32 $0xFFFF6000  }
0x2d3: {  	[hbm4b:s28+s3] =	stream.linear.scatter [tilespmem:s29], [sflag:$0x4], $0xA000, $0x38;
	[tilespmem:$0x1E200] =	vst v63  }
0x2d4: {  	_ =	swait.ge [sflag:s4], $0xA000  }
0x2d5: {  	[sflag:s4] =	ssyncset.done $0x0  }
0x2d6: {  	[sflag:s4] =	ssyncadd.s32 $0xFFFF6000  }
0x2d7: {  	v3 =	vld [tilespmem:$0x1B8];
	_ =	sdelay $0x4  }
0x2d8: {  	v59 =	vshll.u32 v3, $0x3  }
0x2d9: {  	v3 =	vand.u32 $0x7, v3;
	v4 =	vand.u32 $0xFFFFFFC0, v59  }
0x2da: {  	v3 =	vor.u32 v3, v4  }
0x2db: {  	v4 =	vperm.xlane v3, v0;
	_ =	sdelay $0x1  }
0x2dc: {  	v4 =	vadd.s32 v1, v4;
	_ =	sdelay $0x4  }
0x2dd: {  	[tilespmem:s12], [sflag:$0x3] =	stream.indirect_vreg.gather [hbm4b:s2+s3], $0x80, v4, vm0, $0xb8;
	[tilespmem:$0x1E200] =	vst v63  }
0x2de: {  	v3 =	vperm.xlane v3, v2;
	s12 =	simm.s32 $0x14A00  }
0x2df: {  	[tilespmem:s12], [sflag:$0x3] =	stream.indirect_vreg.gather [hbm4b:s5+s3], $0x80, v4, vm0, $0xb8;
	[tilespmem:$0x1E200] =	vst v63  }
0x2e0: {  	v3 =	vadd.s32 v1, v3;
	s12 =	simm.s32 $0x15200  }
0x2e1: {  	[tilespmem:s12], [sflag:$0x3] =	stream.indirect_vreg.gather [hbm4b:s6+s3], $0x80, v4, vm0, $0xb8;
	[tilespmem:$0x1E200] =	vst v63  }
0x2e2: {  	_ = 	snop  }
0x2e3: {  	[tilespmem:s31], [sflag:$0x3] =	stream.indirect_vreg.gather [hbm4b:s7+s3], $0x80, v4, vm0, $0xb8;
	[tilespmem:$0x1E200] =	vst v63  }
0x2e4: {  	_ = 	snop  }
0x2e5: {  	[tilespmem:s13], [sflag:$0x3] =	stream.indirect_vreg.gather [hbm4b:s2+s3], $0x80, v3, vm0, $0xb8;
	[tilespmem:$0x1E200] =	vst v63  }
0x2e6: {  	_ = 	snop  }
0x2e7: {  	[tilespmem:s15], [sflag:$0x3] =	stream.indirect_vreg.gather [hbm4b:s5+s3], $0x80, v3, vm0, $0xb8;
	[tilespmem:$0x1E200] =	vst v63  }
0x2e8: {  	_ = 	snop  }
0x2e9: {  	[tilespmem:s16], [sflag:$0x3] =	stream.indirect_vreg.gather [hbm4b:s6+s3], $0x80, v3, vm0, $0xb8;
	[tilespmem:$0x1E200] =	vst v63  }
0x2ea: {  	s13 =	simm.s32 $0x17A00  }
0x2eb: {  	[tilespmem:s13], [sflag:$0x3] =	stream.indirect_vreg.gather [hbm4b:s7+s3], $0x80, v3, vm0, $0xb8;
	[tilespmem:$0x1E200] =	vst v63  }
0x2ec: {  	v3 =	vld [tilespmem:$0x1C8];
	_ =	sdelay $0x4  }
0x2ed: {  	v60 =	vshll.u32 v3, $0x3  }
0x2ee: {  	v3 =	vand.u32 $0x7, v3;
	v4 =	vand.u32 $0xFFFFFFC0, v60  }
0x2ef: {  	v3 =	vor.u32 v3, v4  }
0x2f0: {  	v4 =	vperm.xlane v3, v0;
	_ =	sdelay $0x1  }
0x2f1: {  	v4 =	vadd.s32 v1, v4;
	_ =	sdelay $0x3  }
0x2f2: {  	s15 =	simm.s32 $0x18200  }
0x2f3: {  	[tilespmem:s15], [sflag:$0x3] =	stream.indirect_vreg.gather [hbm4b:s2+s3], $0x80, v4, vm0, $0xb8;
	[tilespmem:$0x1E200] =	vst v63  }
0x2f4: {  	s16 =	simm.s32 $0x18A00;
	v3 =	vperm.xlane v3, v2  }
0x2f5: {  	[tilespmem:s16], [sflag:$0x3] =	stream.indirect_vreg.gather [hbm4b:s5+s3], $0x80, v4, vm0, $0xb8;
	[tilespmem:$0x1E200] =	vst v63  }
0x2f6: {  	v3 =	vadd.s32 v1, v3  }
0x2f7: {  	[tilespmem:s17], [sflag:$0x3] =	stream.indirect_vreg.gather [hbm4b:s6+s3], $0x80, v4, vm0, $0xb8;
	[tilespmem:$0x1E200] =	vst v63  }
0x2f8: {  	_ = 	snop  }
0x2f9: {  	[tilespmem:s18], [sflag:$0x3] =	stream.indirect_vreg.gather [hbm4b:s7+s3], $0x80, v4, vm0, $0xb8;
	[tilespmem:$0x1E200] =	vst v63  }
0x2fa: {  	_ = 	snop  }
0x2fb: {  	[tilespmem:s19], [sflag:$0x3] =	stream.indirect_vreg.gather [hbm4b:s2+s3], $0x80, v3, vm0, $0xb8;
	[tilespmem:$0x1E200] =	vst v63  }
0x2fc: {  	_ = 	snop  }
0x2fd: {  	[tilespmem:s20], [sflag:$0x3] =	stream.indirect_vreg.gather [hbm4b:s5+s3], $0x80, v3, vm0, $0xb8;
	[tilespmem:$0x1E200] =	vst v63  }
0x2fe: {  	_ = 	snop  }
0x2ff: {  	[tilespmem:s21], [sflag:$0x3] =	stream.indirect_vreg.gather [hbm4b:s6+s3], $0x80, v3, vm0, $0xb8;
	[tilespmem:$0x1E200] =	vst v63  }
0x300: {  	s21 =	simm.s32 $0x1BA00  }
0x301: {  	[tilespmem:s21], [sflag:$0x3] =	stream.indirect_vreg.gather [hbm4b:s7+s3], $0x80, v3, vm0, $0xb8;
	[tilespmem:$0x1E200] =	vst v63  }
0x302: {  	v3 =	vld.msk [tilespmem:$0x1D8], $0xff;
	_ =	sdelay $0x4  }
0x303: {  	v61 =	vshll.u32 v3, $0x3  }
0x304: {  	v3 =	vand.u32 $0x7, v3;
	v4 =	vand.u32 $0xFFFFFFC0, v61  }
0x305: {  	v3 =	vor.u32 v3, v4  }
0x306: {  	v3 =	vperm.xlane v3, v0;
	_ =	sdelay $0x1  }
0x307: {  	v3 =	vadd.s32 v1, v3;
	_ =	sdelay $0x4  }
0x308: {  	[tilespmem:s22], [sflag:$0x3] =	stream.indirect_vreg.gather [hbm4b:s2+s3], $0x80, v3, vm0, $0xb8;
	[tilespmem:$0x1E200] =	vst v63  }
0x309: {  	_ = 	snop  }
0x30a: {  	[tilespmem:s23], [sflag:$0x3] =	stream.indirect_vreg.gather [hbm4b:s5+s3], $0x80, v3, vm0, $0xb8;
	[tilespmem:$0x1E200] =	vst v63  }
0x30b: {  	_ = 	snop  }
0x30c: {  	[tilespmem:s24], [sflag:$0x3] =	stream.indirect_vreg.gather [hbm4b:s6+s3], $0x80, v3, vm0, $0xb8;
	[tilespmem:$0x1E200] =	vst v63  }
0x30d: {  	s24 =	simm.s32 $0x1DA00  }
0x30e: {  	[tilespmem:s24], [sflag:$0x3] =	stream.indirect_vreg.gather [hbm4b:s7+s3], $0x80, v3, vm0, $0xb8;
	[tilespmem:$0x1E200] =	vst v63  }
0x30f: {  	_ =	swait.ge [sflag:s14], $0xA000  }
0x310: {  	[sflag:s14] =	ssyncset.done $0x0  }
0x311: {  	s9 =	simm.s32 $0xA200;
	s31 =	rddreg [dreg:$0xe];
	[sflag:s14] =	ssyncadd.s32 $0xFFFF6000  }
0x312: {  	[hbm4b:s31+s3] =	stream.linear.scatter [tilespmem:s9], [sflag:$0x5], $0xA000, $0x38;
	[tilespmem:$0x1E200] =	vst v63  }
0x313: {  	_ =	swait.ge [sflag:s30], $0xA000  }
0x314: {  	[sflag:s30] =	ssyncset.done $0x0  }
0x315: {  	[sflag:s30] =	ssyncadd.s32 $0xFFFF6000  }
0x316: {  	v3 =	vld [tilespmem:$0x1E0];
	_ =	sdelay $0x4  }
0x317: {  	v62 =	vshll.u32 v3, $0x3  }
0x318: {  	v3 =	vand.u32 $0x7, v3;
	v4 =	vand.u32 $0xFFFFFFC0, v62  }
0x319: {  	v3 =	vor.u32 v3, v4  }
0x31a: {  	v4 =	vperm.xlane v3, v0;
	_ =	sdelay $0x1  }
0x31b: {  	v4 =	vadd.s32 v1, v4;
	_ =	sdelay $0x4  }
0x31c: {  	[tilespmem:s29], [sflag:$0x1] =	stream.indirect_vreg.gather [hbm4b:s2+s3], $0x80, v4, vm0, $0xb8;
	[tilespmem:$0x1E200] =	vst v63  }
0x31d: {  	s12 =	simm.s32 $0xA00;
	v3 =	vperm.xlane v3, v2  }
0x31e: {  	[tilespmem:s12], [sflag:$0x1] =	stream.indirect_vreg.gather [hbm4b:s5+s3], $0x80, v4, vm0, $0xb8;
	[tilespmem:$0x1E200] =	vst v63  }
0x31f: {  	v3 =	vadd.s32 v1, v3  }
0x320: {  	[tilespmem:s25], [sflag:$0x1] =	stream.indirect_vreg.gather [hbm4b:s6+s3], $0x80, v4, vm0, $0xb8;
	[tilespmem:$0x1E200] =	vst v63  }
0x321: {  	_ = 	snop  }
0x322: {  	[tilespmem:s26], [sflag:$0x1] =	stream.indirect_vreg.gather [hbm4b:s7+s3], $0x80, v4, vm0, $0xb8;
	[tilespmem:$0x1E200] =	vst v63  }
0x323: {  	s13 =	simm.s32 $0x2200  }
0x324: {  	[tilespmem:s13], [sflag:$0x1] =	stream.indirect_vreg.gather [hbm4b:s2+s3], $0x80, v3, vm0, $0xb8;
	[tilespmem:$0x1E200] =	vst v63  }
0x325: {  	s15 =	simm.s32 $0x2A00  }
0x326: {  	[tilespmem:s15], [sflag:$0x1] =	stream.indirect_vreg.gather [hbm4b:s5+s3], $0x80, v3, vm0, $0xb8;
	[tilespmem:$0x1E200] =	vst v63  }
0x327: {  	s16 =	simm.s32 $0x3200  }
0x328: {  	[tilespmem:s16], [sflag:$0x1] =	stream.indirect_vreg.gather [hbm4b:s6+s3], $0x80, v3, vm0, $0xb8;
	[tilespmem:$0x1E200] =	vst v63  }
0x329: {  	s17 =	simm.s32 $0x3A00  }
0x32a: {  	[tilespmem:s17], [sflag:$0x1] =	stream.indirect_vreg.gather [hbm4b:s7+s3], $0x80, v3, vm0, $0xb8;
	[tilespmem:$0x1E200] =	vst v63  }
0x32b: {  	v3 =	vld [tilespmem:$0x1F0];
	_ =	sdelay $0x4  }
0x32c: {  	v63 =	vshll.u32 v3, $0x3  }
0x32d: {  	v3 =	vand.u32 $0x7, v3;
	v4 =	vand.u32 $0xFFFFFFC0, v63  }
0x32e: {  	v3 =	vor.u32 v3, v4  }
0x32f: {  	v4 =	vperm.xlane v3, v0;
	_ =	sdelay $0x1  }
0x330: {  	v4 =	vadd.s32 v1, v4;
	_ =	sdelay $0x3  }
0x331: {  	s18 =	simm.s32 $0x4200  }
0x332: {  	[tilespmem:s18], [sflag:$0x1] =	stream.indirect_vreg.gather [hbm4b:s2+s3], $0x80, v4, vm0, $0xb8;
	[tilespmem:$0x1E200] =	vst v63  }
0x333: {  	s19 =	simm.s32 $0x4A00;
	v3 =	vperm.xlane v3, v2  }
0x334: {  	[tilespmem:s19], [sflag:$0x1] =	stream.indirect_vreg.gather [hbm4b:s5+s3], $0x80, v4, vm0, $0xb8;
	[tilespmem:$0x1E200] =	vst v63  }
0x335: {  	s20 =	simm.s32 $0x5200;
	v3 =	vadd.s32 v1, v3  }
0x336: {  	[tilespmem:s20], [sflag:$0x1] =	stream.indirect_vreg.gather [hbm4b:s6+s3], $0x80, v4, vm0, $0xb8;
	[tilespmem:$0x1E200] =	vst v63  }
0x337: {  	s21 =	simm.s32 $0x5A00  }
0x338: {  	[tilespmem:s21], [sflag:$0x1] =	stream.indirect_vreg.gather [hbm4b:s7+s3], $0x80, v4, vm0, $0xb8;
	[tilespmem:$0x1E200] =	vst v63  }
0x339: {  	s22 =	simm.s32 $0x6200  }
0x33a: {  	[tilespmem:s22], [sflag:$0x1] =	stream.indirect_vreg.gather [hbm4b:s2+s3], $0x80, v3, vm0, $0xb8;
	[tilespmem:$0x1E200] =	vst v63  }
0x33b: {  	s23 =	simm.s32 $0x6A00  }
0x33c: {  	[tilespmem:s23], [sflag:$0x1] =	stream.indirect_vreg.gather [hbm4b:s5+s3], $0x80, v3, vm0, $0xb8;
	[tilespmem:$0x1E200] =	vst v63  }
0x33d: {  	s24 =	simm.s32 $0x7200  }
0x33e: {  	[tilespmem:s24], [sflag:$0x1] =	stream.indirect_vreg.gather [hbm4b:s6+s3], $0x80, v3, vm0, $0xb8;
	[tilespmem:$0x1E200] =	vst v63  }
0x33f: {  	s25 =	simm.s32 $0x7A00  }
0x340: {  	[tilespmem:s25], [sflag:$0x1] =	stream.indirect_vreg.gather [hbm4b:s7+s3], $0x80, v3, vm0, $0xb8;
	[tilespmem:$0x1E200] =	vst v63  }
0x341: {  	_ =	swait.ge [sflag:s0], $0xA000  }
0x342: {  	[sflag:s0] =	ssyncset.done $0x0  }
0x343: {  	s28 =	simm.s32 $0x14200;
	s26 =	rddreg [dreg:$0xf];
	[sflag:s0] =	ssyncadd.s32 $0xFFFF6000  }
0x344: {  	[hbm4b:s26+s3] =	stream.linear.scatter [tilespmem:s28], [sflag:$0x6], $0xA000, $0x38;
	[tilespmem:$0x1E200] =	vst v63  }
0x345: {  	_ =	swait.ge [sflag:s1], $0xA000  }
0x346: {  	[sflag:s1] =	ssyncset.done $0x0  }
0x347: {  	[sflag:s1] =	ssyncadd.s32 $0xFFFF6000  }
0x348: {  	_ =	swait.ge [sflag:s10], $0x8000  }
0x349: {  	[sflag:s10] =	ssyncset.done $0x0  }
0x34a: {  	s31 =	rddreg [dreg:$0x10];
	[sflag:s10] =	ssyncadd.s32 $0xFFFF8000  }
0x34b: {  	[hbm4b:s31+s3] =	stream.linear.scatter [tilespmem:s29], [sflag:$0x4], $0x8000, $0x38;
	[tilespmem:$0x1E200] =	vst v63  }
0x34c: {  	p0 =	sne.s32 s8, $0x1;
	_ =	swait.ge [sflag:s4], $0xA000  }
.Ltmp0:
0x34d: {  	[sflag:s4] =	ssyncset.done $0x0;
	(pc) =	sbr.rel @p0 .LBB2_1-.Ltmp0, $4  }
0x34e: {  	[sflag:s4] =	ssyncadd.s32 $0xFFFF6000  }
0x34f: {  	_ =	swait.ge [sflag:s30], $0x8000  }
0x350: {  	[sflag:s30] =	ssyncset.done $0x0  }
0x351: {  	s8 =	sadd.s32 $0xFFFFFFFF, s8;
	[sflag:s30] =	ssyncadd.s32 $0xFFFF8000  }
0x352: {  	_ =	sfence.sel $0x180000  }
0x353: {  	[bflag:$0x0] =	sbarrier.arrive $0xFFFF  }
0x354: {  	_ =	strace $0x90000047  }
0x355: {  	s0 =	stileid.u32;
	[bflag:$0x2] =	sbarrier.arrive $0xFFFF  }
0x356: {  	p0 =	sne.s32 s0, $0x0;
	s0 =	rddreg [dreg:$0x3]  }
0x357: {  	s0 =	sadd.s32 @!p0 $0x100000, s0  }
0x358: {  	[sflag:s0] =	ssyncadd.tile.s32 @!p0 $0x1;
	_ =	shalt  }
.Lfunc_end2:
_tile_overlayer_lowered:
.L_overlay_start_2:
0x359: {  	(tag) =	ssettag $0x2  }
0x35a: {  	s0 =	rddreg [dreg:$0x0];
	s2 =	stileid.u32  }
0x35b: {  	s1 =	rddreg [dreg:$0x1];
	p0 =	sne.s32 s2, $0x0  }
0x35c: {  	s3 =	rddreg [dreg:$0x2];
	[bflag:$0x3] =	sbarrier.arrive $0xFFFF;
	s2 =	simm.s32 @!p0 $0x1C07  }
0x35d: {  	[timem:s3], [sflag:s2] =	dma.local @!p0 [hbm:s0], s1  }
0x35e: {  	s0 =	simm.s32 @!p0 $0x7  }
0x35f: {  	_ =	swait.ge @!p0 [sflag:s0], s1  }
0x360: {  	s1 =	ssub.s32 @!p0 $0x0, s1;
	[sflag:s0] =	ssyncset.done @!p0 $0x0  }
0x361: {  	[sflag:s0] =	ssyncadd.s32 @!p0 s1  }
0x362: {  	[bflag:$0x3] =	sbarrier.arrive $0xFFFF  }
0x363: {  	_ =	shalt  }

</sc_bundles>
